<compile_context>
chip_gen: v7x
topology: tpu7x:2x2x1
jax: 0.10.2.dev20260603
libtpu: 0.0.44.dev20260713+nightly
codegen_flags: <defaults>
</compile_context>

<pallas_src>
import functools

import numpy as np

import jax
import jax.numpy as jnp
from jax import lax
from jax.experimental import pallas as pl
from jax.experimental.pallas import tpu as pltpu
from jax.experimental.pallas import tpu_sc as plsc

_TM = 128
_TB = 512
_META = 256


def _routing_body(nblk, tb, e, tm, nch,
                  x_ref, gw_ref, gb_ref,
                  eid_ref, rank_ref, meta_ref, loss_ref,
                  carry_ref, prob_ref):
    i = pl.program_id(0)

    @pl.when(i == 0)
    def _init():
        carry_ref[...] = jnp.zeros_like(carry_ref)
        prob_ref[...] = jnp.zeros_like(prob_ref)

    xb = x_ref[...]
    scores = lax.dot_general(xb, gw_ref[...], (((1,), (1,)), ((), ())),
                             preferred_element_type=jnp.float32) + gb_ref[...]
    m = jnp.max(scores, axis=1, keepdims=True)
    lane = lax.broadcasted_iota(jnp.int32, scores.shape, 1)
    eid = jnp.min(jnp.where(scores == m, lane, e), axis=1)
    onehot = (lane == eid[:, None]).astype(jnp.float32)
    ex = jnp.exp(scores - m)
    probs = ex / jnp.sum(ex, axis=1, keepdims=True)

    r_i = lax.broadcasted_iota(jnp.int32, (tb, tb), 0)
    c_i = lax.broadcasted_iota(jnp.int32, (tb, tb), 1)
    lt = (c_i < r_i).astype(jnp.float32)
    prev = lax.dot_general(lt, onehot, (((1,), (0,)), ((), ())),
                           preferred_element_type=jnp.float32)
    rank = jnp.sum((prev + carry_ref[...]) * onehot, axis=1)

    eid_ref[...] = eid.astype(jnp.int32).reshape(1, 1, tb)
    rank_ref[...] = rank.astype(jnp.int32).reshape(1, 1, tb)
    carry_ref[...] = carry_ref[...] + jnp.sum(onehot, axis=0, keepdims=True)
    prob_ref[...] = prob_ref[...] + jnp.sum(probs, axis=0, keepdims=True)

    @pl.when(i == nblk - 1)
    def _fin():
        counts = carry_ref[...]
        counts_i = counts.astype(jnp.int32)
        nchunks = (counts_i + (tm - 1)) // tm
        ei = lax.broadcasted_iota(jnp.int32, (e, e), 0)
        fi = lax.broadcasted_iota(jnp.int32, (e, e), 1)
        mle = (ei <= fi).astype(jnp.float32)
        cum = lax.dot_general(nchunks.astype(jnp.float32), mle,
                              (((1,), (0,)), ((), ())),
                              preferred_element_type=jnp.float32
                              ).astype(jnp.int32)
        row_off = (cum - nchunks) * tm
        nreal = jnp.sum(nchunks)
        jj = lax.broadcasted_iota(jnp.int32, (nch, e), 0)
        jj = jnp.minimum(jj, nreal - 1)
        ince = jnp.sum((jnp.broadcast_to(cum, (nch, e)) <= jj).astype(jnp.int32),
                       axis=1)
        blk = jnp.minimum(lax.broadcasted_iota(jnp.int32, (nch,), 0), nreal - 1)
        meta_ref[...] = jnp.concatenate(
            [row_off.reshape(e), ince, blk]).reshape(1, 1, _META)
        t = nblk * tb
        lossv = (e / (t * t)) * jnp.sum(counts * prob_ref[...])
        loss_ref[...] = jnp.full(loss_ref.shape, lossv, jnp.float32)


def _route(x2, gate_W, gate_b2, *, nblk, tb, e, tm, nch, interpret=False):
    t, d = x2.shape
    return pl.pallas_call(
        functools.partial(_routing_body, nblk, tb, e, tm, nch),
        grid=(nblk,),
        in_specs=[
            pl.BlockSpec((tb, d), lambda i: (i, 0)),
            pl.BlockSpec((e, d), lambda i: (0, 0)),
            pl.BlockSpec((1, e), lambda i: (0, 0)),
        ],
        out_specs=[
            pl.BlockSpec((1, 1, tb), lambda i: (i, 0, 0)),
            pl.BlockSpec((1, 1, tb), lambda i: (i, 0, 0)),
            pl.BlockSpec((1, 1, _META), lambda i: (0, 0, 0)),
            pl.BlockSpec((1, 1, 128), lambda i: (0, 0, 0)),
        ],
        out_shape=[
            jax.ShapeDtypeStruct((nblk, 1, tb), jnp.int32),
            jax.ShapeDtypeStruct((nblk, 1, tb), jnp.int32),
            jax.ShapeDtypeStruct((1, 1, _META), jnp.int32),
            jax.ShapeDtypeStruct((1, 1, 128), jnp.float32),
        ],
        scratch_shapes=[
            pltpu.VMEM((1, e), jnp.float32),
            pltpu.VMEM((1, e), jnp.float32),
        ],
        interpret=interpret,
    )(x2, gate_W, gate_b2)


def _ffn_body(inc_ref, blk_ref, x_ref, w1_ref, b1_ref, w2_ref, b2_ref, o_ref):
    j = pl.program_id(0)

    @pl.when(blk_ref[j] == j)
    def _real():
        xb = x_ref[...]
        h = lax.dot_general(xb, w1_ref[0], (((1,), (1,)), ((), ())),
                            preferred_element_type=jnp.float32) + b1_ref[0]
        h = h * (lax.erf(h * np.float32(1.0 / np.sqrt(2.0))) + 1.0) * 0.5
        o = lax.dot_general(h, w2_ref[0], (((1,), (1,)), ((), ())),
                            preferred_element_type=jnp.float32) + b2_ref[0]
        o_ref[...] = o


def _ffn(inc_e, blk, xs, W1, b1, W2, b2, *, nch, tm, interpret=False):
    e, df, d = W1.shape
    grid_spec = pltpu.PrefetchScalarGridSpec(
        num_scalar_prefetch=2,
        grid=(nch,),
        in_specs=[
            pl.BlockSpec((tm, d), lambda j, inc, blk: (blk[j], 0)),
            pl.BlockSpec((1, df, d), lambda j, inc, blk: (inc[j], 0, 0)),
            pl.BlockSpec((1, 1, df), lambda j, inc, blk: (inc[j], 0, 0)),
            pl.BlockSpec((1, d, df), lambda j, inc, blk: (inc[j], 0, 0)),
            pl.BlockSpec((1, 1, d), lambda j, inc, blk: (inc[j], 0, 0)),
        ],
        out_specs=pl.BlockSpec((tm, d), lambda j, inc, blk: (blk[j], 0)),
    )
    return pl.pallas_call(
        _ffn_body,
        grid_spec=grid_spec,
        out_shape=jax.ShapeDtypeStruct((nch * tm, d), jnp.float32),
        interpret=interpret,
    )(inc_e, blk, xs, W1, b1.reshape(e, 1, df), W2, b2.reshape(e, 1, d))


def _dispatch_body(nc, tpw,
                   x_hbm, eid_hbm, rank_hbm, roff_hbm,
                   xs_hbm, dest_hbm,
                   eid_v, rank_v, roff_v, dest_v, rows_v, sem):
    wid = lax.axis_index("s") * nc + lax.axis_index("c")
    base = wid * tpw
    pltpu.sync_copy(eid_hbm.at[pl.ds(base, tpw)], eid_v)
    pltpu.sync_copy(rank_hbm.at[pl.ds(base, tpw)], rank_v)
    pltpu.sync_copy(roff_hbm, roff_v)
    pltpu.sync_copy(x_hbm.at[pl.ds(base, tpw)], rows_v)
    for i in range(tpw // 16):
        sl = pl.ds(i * 16, 16)
        ro = plsc.load_gather(roff_v, [eid_v[sl]])
        dest_v[sl] = ro + rank_v[sl]
    pltpu.sync_copy(dest_v, dest_hbm.at[pl.ds(base, tpw)])
    pltpu.async_copy(rows_v, xs_hbm.at[dest_v], sem).wait()


def _combine_body(nc, tpw,
                  os_hbm, dest_hbm, out_hbm,
                  dest_v, rows_v, sem):
    wid = lax.axis_index("s") * nc + lax.axis_index("c")
    base = wid * tpw
    pltpu.sync_copy(dest_hbm.at[pl.ds(base, tpw)], dest_v)
    pltpu.async_copy(os_hbm.at[dest_v], rows_v, sem).wait()
    pltpu.sync_copy(rows_v, out_hbm.at[pl.ds(base, tpw)])


def kernel(x, gate_W, gate_b, W1, b1, W2, b2):
    bx, lx, d = x.shape
    e, df, _ = W1.shape
    t = bx * lx
    tm = _TM
    tb = _TB
    nblk = t // tb
    nch = t // tm + e

    x2 = x.reshape(t, d)
    eid3, rank3, meta, loss = _route(
        x2, gate_W, gate_b.reshape(1, e), nblk=nblk, tb=tb, e=e, tm=tm, nch=nch)
    eid = eid3.reshape(t)
    rank = rank3.reshape(t)
    meta1 = meta.reshape(_META)
    row_off = meta1[:e]
    inc_e = meta1[e:e + nch]
    blk = meta1[e + nch:e + 2 * nch]

    info = plsc.get_sparse_core_info()
    nw = info.num_cores * info.num_subcores
    tpw = t // nw
    mesh = plsc.VectorSubcoreMesh(core_axis_name="c", subcore_axis_name="s")

    dispatch = pl.kernel(
        functools.partial(_dispatch_body, info.num_cores, tpw),
        out_type=[jax.ShapeDtypeStruct((nch * tm, d), jnp.float32),
                  jax.ShapeDtypeStruct((t,), jnp.int32)],
        mesh=mesh,
        compiler_params=pltpu.CompilerParams(needs_layout_passes=False),
        scratch_types=[pltpu.VMEM((tpw,), jnp.int32),
                       pltpu.VMEM((tpw,), jnp.int32),
                       pltpu.VMEM((e,), jnp.int32),
                       pltpu.VMEM((tpw,), jnp.int32),
                       pltpu.VMEM((tpw, d), jnp.float32),
                       pltpu.SemaphoreType.DMA],
    )
    xs, dest = dispatch(x2, eid, rank, row_off)

    os_buf = _ffn(inc_e, blk, xs, W1, b1, W2, b2, nch=nch, tm=tm)

    combine = pl.kernel(
        functools.partial(_combine_body, info.num_cores, tpw),
        out_type=jax.ShapeDtypeStruct((t, d), jnp.float32),
        mesh=mesh,
        scratch_types=[pltpu.VMEM((tpw,), jnp.int32),
                       pltpu.VMEM((tpw, d), jnp.float32),
                       pltpu.SemaphoreType.DMA],
    )
    out2 = combine(os_buf, dest)

    return out2.reshape(bx, lx, d), loss.reshape(-1)[0]

# --- scband reference (transcript-rebuilt; emitter-appended) ---
"""Pipeline reference for scband-mo-e-50465865728398 (READ-ONLY COPY).

The authoritative reference and input builder live on the scoring server;
editing this copy changes nothing except your own understanding.
"""

import jax, jax.numpy as jnp
import numpy as np

D_MODEL = 768
D_FF = 1024
E = 64
K = 1
B = 2
L = 2048


def setup_inputs(seed: int = 0) -> dict:
    key = jax.random.key(seed)
    ks = jax.random.split(key, 8)
    s = 1.0 / np.sqrt(D_MODEL)
    sf = 1.0 / np.sqrt(D_FF)
    x = jax.random.normal(ks[0], (B, L, D_MODEL), dtype=jnp.float32)
    gate_W = jax.random.uniform(ks[1], (E, D_MODEL), jnp.float32, -s, s)
    gate_b = jax.random.uniform(ks[2], (E,), jnp.float32, -s, s)
    W1 = jax.random.uniform(ks[3], (E, D_FF, D_MODEL), jnp.float32, -s, s)
    b1 = jax.random.uniform(ks[4], (E, D_FF), jnp.float32, -s, s)
    W2 = jax.random.uniform(ks[5], (E, D_MODEL, D_FF), jnp.float32, -sf, sf)
    b2 = jax.random.uniform(ks[6], (E, D_MODEL), jnp.float32, -sf, sf)
    return {"x": x, "gate_W": gate_W, "gate_b": gate_b, "W1": W1, "b1": b1, "W2": W2, "b2": b2}


def reference(x, gate_W, gate_b, W1, b1, W2, b2):
    Bx, Lx, Dx = x.shape
    x2 = x.reshape(-1, Dx)
    gate_scores = x2 @ gate_W.T + gate_b  # [T, E]
    topk_scores, topk_ids = jax.lax.top_k(gate_scores, K)  # [T, K]
    topk_weights = jax.nn.softmax(topk_scores, axis=-1)
    gate_probs = jax.nn.softmax(gate_scores, axis=-1)
    expert_mask = jax.nn.one_hot(topk_ids, E, dtype=jnp.float32).sum(axis=1)  # [T, E]
    expert_selection_freq = expert_mask.mean(axis=0)
    expert_prob_mean = gate_probs.mean(axis=0)
    load_balance_loss = E * jnp.sum(expert_selection_freq * expert_prob_mean)
    out = jnp.zeros_like(x2)
    for i in range(K):
        w_i = topk_weights[:, i]
        eids = topk_ids[:, i]
        for e in range(E):
            mask = (eids == e)
            h = jax.nn.gelu(x2 @ W1[e].T + b1[e], approximate=False)
            o = h @ W2[e].T + b2[e]
            out = out + jnp.where(mask[:, None], o * w_i[:, None], 0.0)
    return out.reshape(Bx, Lx, Dx), load_balance_loss

if __name__ == "__main__":
    import jax
    _d = setup_inputs()
    print(jax.jit(kernel)(*tuple(_d.values())))

</pallas_src>

<mosaic_0001>
#map = affine_map<(d0, d1) -> (0, 0)>
#map1 = affine_map<(d0, d1) -> (0)>
module attributes {stable_mosaic.version = 14 : i64} {
  func.func @_combine_body(%arg0: i32, %arg1: i32, %arg2: memref<12288x768xf32, #tpu.memory_space<hbm>>, %arg3: memref<4096xi32, #tpu.memory_space<hbm>>, %arg4: memref<4096x768xf32, #tpu.memory_space<hbm>>, %arg5: memref<128xi32, #tpu.memory_space<vmem>>, %arg6: memref<128x768xf32, #tpu.memory_space<vmem>>, %arg7: memref<!tpu.dma_semaphore, #tpu.memory_space<semaphore_mem>>) attributes {dimension_semantics = [#tpu.dimension_semantics<core_parallel>, #tpu.dimension_semantics<subcore_parallel>], iteration_bounds = array<i64: 2, 16>, scalar_prefetch = 0 : i64, scratch_operands = 3 : i64, tpu.core_type = #tpu.core_type<sc_vector_subcore>, window_params = [{transform_indices = #map}, {transform_indices = #map1}, {transform_indices = #map}]} {
    %mul3A = arith.constant 2 : i32
    %mul3A_0 = arith.muli %arg1, %mul3A : i32
    %add3A = arith.addi %mul3A_0, %arg0 : i32
    %mul3A_1 = arith.constant 128 : i32
    %mul3A_2 = arith.muli %add3A, %mul3A_1 : i32
    "tpu.region"() ({
      %run_scoped3A = tpu.sem_alloc : memref<!tpu.dma_semaphore, #tpu.memory_space<semaphore_mem>>
      %dma_start3A_7 = tpu.memref_slice %arg3[%mul3A_2] : memref<4096xi32, #tpu.memory_space<hbm>> -> memref<128xi32, #tpu.memory_space<hbm>>
      %dma_start3A_8 = tpu.memref_slice %arg3[%mul3A_2] : memref<4096xi32, #tpu.memory_space<hbm>> -> memref<128xi32, #tpu.memory_space<hbm>>
      tpu.enqueue_dma source(%dma_start3A_8 : memref<128xi32, #tpu.memory_space<hbm>>) target(%arg5 : memref<128xi32, #tpu.memory_space<vmem>>) target_semaphore(%run_scoped3A : memref<!tpu.dma_semaphore, #tpu.memory_space<semaphore_mem>>)
      %dma_wait3A_9 = tpu.memref_slice %arg3[%mul3A_2] : memref<4096xi32, #tpu.memory_space<hbm>> -> memref<128xi32, #tpu.memory_space<hbm>>
      %dma_wait3A_10 = tpu.memref_slice %arg3[%mul3A_2] : memref<4096xi32, #tpu.memory_space<hbm>> -> memref<128xi32, #tpu.memory_space<hbm>>
      tpu.wait_dma2 semaphore(%run_scoped3A : memref<!tpu.dma_semaphore, #tpu.memory_space<semaphore_mem>>) src(%dma_wait3A_10 : memref<128xi32, #tpu.memory_space<hbm>>) dst(%arg5 : memref<128xi32, #tpu.memory_space<vmem>>)
      tpu.yield
    }) : () -> ()
    %dma_start3A = arith.constant 0 : i32
    %dma_start3A_3 = arith.constant 0 : i32
    %dma_start3A_4 = tpu.memref_slice %arg2[%dma_start3A, %dma_start3A_3] : memref<12288x768xf32, #tpu.memory_space<hbm>> -> memref<12288x768xf32, #tpu.memory_space<hbm>>
    tpu.enqueue_indirect_dma source(%dma_start3A_4 : memref<12288x768xf32, #tpu.memory_space<hbm>>) target(%arg6 : memref<128x768xf32, #tpu.memory_space<vmem>>) offsets(%arg5 : memref<128xi32, #tpu.memory_space<vmem>>) semaphore(%arg7 : memref<!tpu.dma_semaphore, #tpu.memory_space<semaphore_mem>>)
    %dma_wait3A = arith.constant 0 : i32
    %dma_wait3A_5 = arith.constant 0 : i32
    %dma_wait3A_6 = tpu.memref_slice %arg2[%dma_wait3A, %dma_wait3A_5] : memref<12288x768xf32, #tpu.memory_space<hbm>> -> memref<12288x768xf32, #tpu.memory_space<hbm>>
    tpu.wait_indirect_dma semaphore(%arg7 : memref<!tpu.dma_semaphore, #tpu.memory_space<semaphore_mem>>) src(%dma_wait3A_6 : memref<12288x768xf32, #tpu.memory_space<hbm>>) dst(%arg6 : memref<128x768xf32, #tpu.memory_space<vmem>>)
    "tpu.region"() ({
      %run_scoped3A = tpu.sem_alloc : memref<!tpu.dma_semaphore, #tpu.memory_space<semaphore_mem>>
      %dma_start3A_7 = arith.constant 0 : i32
      %dma_start3A_8 = tpu.memref_slice %arg4[%mul3A_2, %dma_start3A_7] : memref<4096x768xf32, #tpu.memory_space<hbm>> -> memref<128x768xf32, #tpu.memory_space<hbm>>
      %dma_start3A_9 = arith.constant 0 : i32
      %dma_start3A_10 = tpu.memref_slice %arg4[%mul3A_2, %dma_start3A_9] : memref<4096x768xf32, #tpu.memory_space<hbm>> -> memref<128x768xf32, #tpu.memory_space<hbm>>
      tpu.enqueue_dma source(%arg6 : memref<128x768xf32, #tpu.memory_space<vmem>>) target(%dma_start3A_10 : memref<128x768xf32, #tpu.memory_space<hbm>>) target_semaphore(%run_scoped3A : memref<!tpu.dma_semaphore, #tpu.memory_space<semaphore_mem>>)
      %dma_wait3A_11 = arith.constant 0 : i32
      %dma_wait3A_12 = tpu.memref_slice %arg4[%mul3A_2, %dma_wait3A_11] : memref<4096x768xf32, #tpu.memory_space<hbm>> -> memref<128x768xf32, #tpu.memory_space<hbm>>
      %dma_wait3A_13 = arith.constant 0 : i32
      %dma_wait3A_14 = tpu.memref_slice %arg4[%mul3A_2, %dma_wait3A_13] : memref<4096x768xf32, #tpu.memory_space<hbm>> -> memref<128x768xf32, #tpu.memory_space<hbm>>
      tpu.wait_dma2 semaphore(%run_scoped3A : memref<!tpu.dma_semaphore, #tpu.memory_space<semaphore_mem>>) src(%arg6 : memref<128x768xf32, #tpu.memory_space<vmem>>) dst(%dma_wait3A_14 : memref<128x768xf32, #tpu.memory_space<hbm>>)
      tpu.yield
    }) : () -> ()
    return
  }
}

#map = affine_map<(d0, d1) -> (0, 0)>
#map1 = affine_map<(d0, d1) -> (0)>
module attributes {stable_mosaic.version = 14 : i64} {
  func.func @_dispatch_body(%arg0: i32, %arg1: i32, %arg2: memref<4096x768xf32, #tpu.memory_space<hbm>>, %arg3: memref<4096xi32, #tpu.memory_space<hbm>>, %arg4: memref<4096xi32, #tpu.memory_space<hbm>>, %arg5: memref<64xi32, #tpu.memory_space<hbm>>, %arg6: memref<12288x768xf32, #tpu.memory_space<hbm>>, %arg7: memref<4096xi32, #tpu.memory_space<hbm>>, %arg8: memref<128xi32, #tpu.memory_space<vmem>>, %arg9: memref<128xi32, #tpu.memory_space<vmem>>, %arg10: memref<64xi32, #tpu.memory_space<vmem>>, %arg11: memref<128xi32, #tpu.memory_space<vmem>>, %arg12: memref<128x768xf32, #tpu.memory_space<vmem>>, %arg13: memref<!tpu.dma_semaphore, #tpu.memory_space<semaphore_mem>>) attributes {dimension_semantics = [#tpu.dimension_semantics<core_parallel>, #tpu.dimension_semantics<subcore_parallel>], iteration_bounds = array<i64: 2, 16>, scalar_prefetch = 0 : i64, scratch_operands = 6 : i64, tpu.core_type = #tpu.core_type<sc_vector_subcore>, window_params = [{transform_indices = #map}, {transform_indices = #map1}, {transform_indices = #map1}, {transform_indices = #map1}, {transform_indices = #map}, {transform_indices = #map1}]} {
    %mul3A = arith.constant 2 : i32
    %mul3A_0 = arith.muli %arg1, %mul3A : i32
    %add3A = arith.addi %mul3A_0, %arg0 : i32
    %mul3A_1 = arith.constant 128 : i32
    %mul3A_2 = arith.muli %add3A, %mul3A_1 : i32
    "tpu.region"() ({
      %run_scoped3A = tpu.sem_alloc : memref<!tpu.dma_semaphore, #tpu.memory_space<semaphore_mem>>
      %dma_start3A_68 = tpu.memref_slice %arg3[%mul3A_2] : memref<4096xi32, #tpu.memory_space<hbm>> -> memref<128xi32, #tpu.memory_space<hbm>>
      %dma_start3A_69 = tpu.memref_slice %arg3[%mul3A_2] : memref<4096xi32, #tpu.memory_space<hbm>> -> memref<128xi32, #tpu.memory_space<hbm>>
      tpu.enqueue_dma source(%dma_start3A_69 : memref<128xi32, #tpu.memory_space<hbm>>) target(%arg8 : memref<128xi32, #tpu.memory_space<vmem>>) target_semaphore(%run_scoped3A : memref<!tpu.dma_semaphore, #tpu.memory_space<semaphore_mem>>)
      %dma_wait3A_70 = tpu.memref_slice %arg3[%mul3A_2] : memref<4096xi32, #tpu.memory_space<hbm>> -> memref<128xi32, #tpu.memory_space<hbm>>
      %dma_wait3A_71 = tpu.memref_slice %arg3[%mul3A_2] : memref<4096xi32, #tpu.memory_space<hbm>> -> memref<128xi32, #tpu.memory_space<hbm>>
      tpu.wait_dma2 semaphore(%run_scoped3A : memref<!tpu.dma_semaphore, #tpu.memory_space<semaphore_mem>>) src(%dma_wait3A_71 : memref<128xi32, #tpu.memory_space<hbm>>) dst(%arg8 : memref<128xi32, #tpu.memory_space<vmem>>)
      tpu.yield
    }) : () -> ()
    "tpu.region"() ({
      %run_scoped3A = tpu.sem_alloc : memref<!tpu.dma_semaphore, #tpu.memory_space<semaphore_mem>>
      %dma_start3A_68 = tpu.memref_slice %arg4[%mul3A_2] : memref<4096xi32, #tpu.memory_space<hbm>> -> memref<128xi32, #tpu.memory_space<hbm>>
      %dma_start3A_69 = tpu.memref_slice %arg4[%mul3A_2] : memref<4096xi32, #tpu.memory_space<hbm>> -> memref<128xi32, #tpu.memory_space<hbm>>
      tpu.enqueue_dma source(%dma_start3A_69 : memref<128xi32, #tpu.memory_space<hbm>>) target(%arg9 : memref<128xi32, #tpu.memory_space<vmem>>) target_semaphore(%run_scoped3A : memref<!tpu.dma_semaphore, #tpu.memory_space<semaphore_mem>>)
      %dma_wait3A_70 = tpu.memref_slice %arg4[%mul3A_2] : memref<4096xi32, #tpu.memory_space<hbm>> -> memref<128xi32, #tpu.memory_space<hbm>>
      %dma_wait3A_71 = tpu.memref_slice %arg4[%mul3A_2] : memref<4096xi32, #tpu.memory_space<hbm>> -> memref<128xi32, #tpu.memory_space<hbm>>
      tpu.wait_dma2 semaphore(%run_scoped3A : memref<!tpu.dma_semaphore, #tpu.memory_space<semaphore_mem>>) src(%dma_wait3A_71 : memref<128xi32, #tpu.memory_space<hbm>>) dst(%arg9 : memref<128xi32, #tpu.memory_space<vmem>>)
      tpu.yield
    }) : () -> ()
    "tpu.region"() ({
      %run_scoped3A = tpu.sem_alloc : memref<!tpu.dma_semaphore, #tpu.memory_space<semaphore_mem>>
      tpu.enqueue_dma source(%arg5 : memref<64xi32, #tpu.memory_space<hbm>>) target(%arg10 : memref<64xi32, #tpu.memory_space<vmem>>) target_semaphore(%run_scoped3A : memref<!tpu.dma_semaphore, #tpu.memory_space<semaphore_mem>>)
      tpu.wait_dma2 semaphore(%run_scoped3A : memref<!tpu.dma_semaphore, #tpu.memory_space<semaphore_mem>>) src(%arg5 : memref<64xi32, #tpu.memory_space<hbm>>) dst(%arg10 : memref<64xi32, #tpu.memory_space<vmem>>)
      tpu.yield
    }) : () -> ()
    "tpu.region"() ({
      %run_scoped3A = tpu.sem_alloc : memref<!tpu.dma_semaphore, #tpu.memory_space<semaphore_mem>>
      %dma_start3A_68 = arith.constant 0 : i32
      %dma_start3A_69 = tpu.memref_slice %arg2[%mul3A_2, %dma_start3A_68] : memref<4096x768xf32, #tpu.memory_space<hbm>> -> memref<128x768xf32, #tpu.memory_space<hbm>>
      %dma_start3A_70 = arith.constant 0 : i32
      %dma_start3A_71 = tpu.memref_slice %arg2[%mul3A_2, %dma_start3A_70] : memref<4096x768xf32, #tpu.memory_space<hbm>> -> memref<128x768xf32, #tpu.memory_space<hbm>>
      tpu.enqueue_dma source(%dma_start3A_71 : memref<128x768xf32, #tpu.memory_space<hbm>>) target(%arg12 : memref<128x768xf32, #tpu.memory_space<vmem>>) target_semaphore(%run_scoped3A : memref<!tpu.dma_semaphore, #tpu.memory_space<semaphore_mem>>)
      %dma_wait3A_72 = arith.constant 0 : i32
      %dma_wait3A_73 = tpu.memref_slice %arg2[%mul3A_2, %dma_wait3A_72] : memref<4096x768xf32, #tpu.memory_space<hbm>> -> memref<128x768xf32, #tpu.memory_space<hbm>>
      %dma_wait3A_74 = arith.constant 0 : i32
      %dma_wait3A_75 = tpu.memref_slice %arg2[%mul3A_2, %dma_wait3A_74] : memref<4096x768xf32, #tpu.memory_space<hbm>> -> memref<128x768xf32, #tpu.memory_space<hbm>>
      tpu.wait_dma2 semaphore(%run_scoped3A : memref<!tpu.dma_semaphore, #tpu.memory_space<semaphore_mem>>) src(%dma_wait3A_75 : memref<128x768xf32, #tpu.memory_space<hbm>>) dst(%arg12 : memref<128x768xf32, #tpu.memory_space<vmem>>)
      tpu.yield
    }) : () -> ()
    %get3A = arith.constant 0 : index
    %get3A_3 = tpu.vector_load %arg8[%get3A] {strides = array<i32>} : memref<128xi32, #tpu.memory_space<vmem>>, vector<16xi32>,
    %gather3A = tpu.vector_load_idx %arg10[%get3A_3] : memref<64xi32, #tpu.memory_space<vmem>>[vector<16xi32>], vector<16xi32>,
    %get3A_4 = arith.constant 0 : index
    %get3A_5 = tpu.vector_load %arg9[%get3A_4] {strides = array<i32>} : memref<128xi32, #tpu.memory_space<vmem>>, vector<16xi32>,
    %add3A_6 = arith.addi %gather3A, %get3A_5 : vector<16xi32>
    %swap3A = arith.constant 0 : index
    %swap3A_7 = tpu.vector_load %arg11[%swap3A] {strides = array<i32>} : memref<128xi32, #tpu.memory_space<vmem>>, vector<16xi32>,
    tpu.vector_store %arg11[%swap3A], %add3A_6 {strides = array<i32>} : memref<128xi32, #tpu.memory_space<vmem>>, vector<16xi32>,
    %get3A_8 = arith.constant 16 : index
    %get3A_9 = tpu.vector_load %arg8[%get3A_8] {strides = array<i32>} : memref<128xi32, #tpu.memory_space<vmem>>, vector<16xi32>,
    %gather3A_10 = tpu.vector_load_idx %arg10[%get3A_9] : memref<64xi32, #tpu.memory_space<vmem>>[vector<16xi32>], vector<16xi32>,
    %get3A_11 = arith.constant 16 : index
    %get3A_12 = tpu.vector_load %arg9[%get3A_11] {strides = array<i32>} : memref<128xi32, #tpu.memory_space<vmem>>, vector<16xi32>,
    %add3A_13 = arith.addi %gather3A_10, %get3A_12 : vector<16xi32>
    %swap3A_14 = arith.constant 16 : index
    %swap3A_15 = tpu.vector_load %arg11[%swap3A_14] {strides = array<i32>} : memref<128xi32, #tpu.memory_space<vmem>>, vector<16xi32>,
    tpu.vector_store %arg11[%swap3A_14], %add3A_13 {strides = array<i32>} : memref<128xi32, #tpu.memory_space<vmem>>, vector<16xi32>,
    %get3A_16 = arith.constant 32 : index
    %get3A_17 = tpu.vector_load %arg8[%get3A_16] {strides = array<i32>} : memref<128xi32, #tpu.memory_space<vmem>>, vector<16xi32>,
    %gather3A_18 = tpu.vector_load_idx %arg10[%get3A_17] : memref<64xi32, #tpu.memory_space<vmem>>[vector<16xi32>], vector<16xi32>,
    %get3A_19 = arith.constant 32 : index
    %get3A_20 = tpu.vector_load %arg9[%get3A_19] {strides = array<i32>} : memref<128xi32, #tpu.memory_space<vmem>>, vector<16xi32>,
    %add3A_21 = arith.addi %gather3A_18, %get3A_20 : vector<16xi32>
    %swap3A_22 = arith.constant 32 : index
    %swap3A_23 = tpu.vector_load %arg11[%swap3A_22] {strides = array<i32>} : memref<128xi32, #tpu.memory_space<vmem>>, vector<16xi32>,
    tpu.vector_store %arg11[%swap3A_22], %add3A_21 {strides = array<i32>} : memref<128xi32, #tpu.memory_space<vmem>>, vector<16xi32>,
    %get3A_24 = arith.constant 48 : index
    %get3A_25 = tpu.vector_load %arg8[%get3A_24] {strides = array<i32>} : memref<128xi32, #tpu.memory_space<vmem>>, vector<16xi32>,
    %gather3A_26 = tpu.vector_load_idx %arg10[%get3A_25] : memref<64xi32, #tpu.memory_space<vmem>>[vector<16xi32>], vector<16xi32>,
    %get3A_27 = arith.constant 48 : index
    %get3A_28 = tpu.vector_load %arg9[%get3A_27] {strides = array<i32>} : memref<128xi32, #tpu.memory_space<vmem>>, vector<16xi32>,
    %add3A_29 = arith.addi %gather3A_26, %get3A_28 : vector<16xi32>
    %swap3A_30 = arith.constant 48 : index
    %swap3A_31 = tpu.vector_load %arg11[%swap3A_30] {strides = array<i32>} : memref<128xi32, #tpu.memory_space<vmem>>, vector<16xi32>,
    tpu.vector_store %arg11[%swap3A_30], %add3A_29 {strides = array<i32>} : memref<128xi32, #tpu.memory_space<vmem>>, vector<16xi32>,
    %get3A_32 = arith.constant 64 : index
    %get3A_33 = tpu.vector_load %arg8[%get3A_32] {strides = array<i32>} : memref<128xi32, #tpu.memory_space<vmem>>, vector<16xi32>,
    %gather3A_34 = tpu.vector_load_idx %arg10[%get3A_33] : memref<64xi32, #tpu.memory_space<vmem>>[vector<16xi32>], vector<16xi32>,
    %get3A_35 = arith.constant 64 : index
    %get3A_36 = tpu.vector_load %arg9[%get3A_35] {strides = array<i32>} : memref<128xi32, #tpu.memory_space<vmem>>, vector<16xi32>,
    %add3A_37 = arith.addi %gather3A_34, %get3A_36 : vector<16xi32>
    %swap3A_38 = arith.constant 64 : index
    %swap3A_39 = tpu.vector_load %arg11[%swap3A_38] {strides = array<i32>} : memref<128xi32, #tpu.memory_space<vmem>>, vector<16xi32>,
    tpu.vector_store %arg11[%swap3A_38], %add3A_37 {strides = array<i32>} : memref<128xi32, #tpu.memory_space<vmem>>, vector<16xi32>,
    %get3A_40 = arith.constant 80 : index
    %get3A_41 = tpu.vector_load %arg8[%get3A_40] {strides = array<i32>} : memref<128xi32, #tpu.memory_space<vmem>>, vector<16xi32>,
    %gather3A_42 = tpu.vector_load_idx %arg10[%get3A_41] : memref<64xi32, #tpu.memory_space<vmem>>[vector<16xi32>], vector<16xi32>,
    %get3A_43 = arith.constant 80 : index
    %get3A_44 = tpu.vector_load %arg9[%get3A_43] {strides = array<i32>} : memref<128xi32, #tpu.memory_space<vmem>>, vector<16xi32>,
    %add3A_45 = arith.addi %gather3A_42, %get3A_44 : vector<16xi32>
    %swap3A_46 = arith.constant 80 : index
    %swap3A_47 = tpu.vector_load %arg11[%swap3A_46] {strides = array<i32>} : memref<128xi32, #tpu.memory_space<vmem>>, vector<16xi32>,
    tpu.vector_store %arg11[%swap3A_46], %add3A_45 {strides = array<i32>} : memref<128xi32, #tpu.memory_space<vmem>>, vector<16xi32>,
    %get3A_48 = arith.constant 96 : index
    %get3A_49 = tpu.vector_load %arg8[%get3A_48] {strides = array<i32>} : memref<128xi32, #tpu.memory_space<vmem>>, vector<16xi32>,
    %gather3A_50 = tpu.vector_load_idx %arg10[%get3A_49] : memref<64xi32, #tpu.memory_space<vmem>>[vector<16xi32>], vector<16xi32>,
    %get3A_51 = arith.constant 96 : index
    %get3A_52 = tpu.vector_load %arg9[%get3A_51] {strides = array<i32>} : memref<128xi32, #tpu.memory_space<vmem>>, vector<16xi32>,
    %add3A_53 = arith.addi %gather3A_50, %get3A_52 : vector<16xi32>
    %swap3A_54 = arith.constant 96 : index
    %swap3A_55 = tpu.vector_load %arg11[%swap3A_54] {strides = array<i32>} : memref<128xi32, #tpu.memory_space<vmem>>, vector<16xi32>,
    tpu.vector_store %arg11[%swap3A_54], %add3A_53 {strides = array<i32>} : memref<128xi32, #tpu.memory_space<vmem>>, vector<16xi32>,
    %get3A_56 = arith.constant 112 : index
    %get3A_57 = tpu.vector_load %arg8[%get3A_56] {strides = array<i32>} : memref<128xi32, #tpu.memory_space<vmem>>, vector<16xi32>,
    %gather3A_58 = tpu.vector_load_idx %arg10[%get3A_57] : memref<64xi32, #tpu.memory_space<vmem>>[vector<16xi32>], vector<16xi32>,
    %get3A_59 = arith.constant 112 : index
    %get3A_60 = tpu.vector_load %arg9[%get3A_59] {strides = array<i32>} : memref<128xi32, #tpu.memory_space<vmem>>, vector<16xi32>,
    %add3A_61 = arith.addi %gather3A_58, %get3A_60 : vector<16xi32>
    %swap3A_62 = arith.constant 112 : index
    %swap3A_63 = tpu.vector_load %arg11[%swap3A_62] {strides = array<i32>} : memref<128xi32, #tpu.memory_space<vmem>>, vector<16xi32>,
    tpu.vector_store %arg11[%swap3A_62], %add3A_61 {strides = array<i32>} : memref<128xi32, #tpu.memory_space<vmem>>, vector<16xi32>,
    "tpu.region"() ({
      %run_scoped3A = tpu.sem_alloc : memref<!tpu.dma_semaphore, #tpu.memory_space<semaphore_mem>>
      %dma_start3A_68 = tpu.memref_slice %arg7[%mul3A_2] : memref<4096xi32, #tpu.memory_space<hbm>> -> memref<128xi32, #tpu.memory_space<hbm>>
      %dma_start3A_69 = tpu.memref_slice %arg7[%mul3A_2] : memref<4096xi32, #tpu.memory_space<hbm>> -> memref<128xi32, #tpu.memory_space<hbm>>
      tpu.enqueue_dma source(%arg11 : memref<128xi32, #tpu.memory_space<vmem>>) target(%dma_start3A_69 : memref<128xi32, #tpu.memory_space<hbm>>) target_semaphore(%run_scoped3A : memref<!tpu.dma_semaphore, #tpu.memory_space<semaphore_mem>>)
      %dma_wait3A_70 = tpu.memref_slice %arg7[%mul3A_2] : memref<4096xi32, #tpu.memory_space<hbm>> -> memref<128xi32, #tpu.memory_space<hbm>>
      %dma_wait3A_71 = tpu.memref_slice %arg7[%mul3A_2] : memref<4096xi32, #tpu.memory_space<hbm>> -> memref<128xi32, #tpu.memory_space<hbm>>
      tpu.wait_dma2 semaphore(%run_scoped3A : memref<!tpu.dma_semaphore, #tpu.memory_space<semaphore_mem>>) src(%arg11 : memref<128xi32, #tpu.memory_space<vmem>>) dst(%dma_wait3A_71 : memref<128xi32, #tpu.memory_space<hbm>>)
      tpu.yield
    }) : () -> ()
    %dma_start3A = arith.constant 0 : i32
    %dma_start3A_64 = arith.constant 0 : i32
    %dma_start3A_65 = tpu.memref_slice %arg6[%dma_start3A, %dma_start3A_64] : memref<12288x768xf32, #tpu.memory_space<hbm>> -> memref<12288x768xf32, #tpu.memory_space<hbm>>
    tpu.enqueue_indirect_dma source(%arg12 : memref<128x768xf32, #tpu.memory_space<vmem>>) target(%dma_start3A_65 : memref<12288x768xf32, #tpu.memory_space<hbm>>) offsets(%arg11 : memref<128xi32, #tpu.memory_space<vmem>>) semaphore(%arg13 : memref<!tpu.dma_semaphore, #tpu.memory_space<semaphore_mem>>)
    %dma_wait3A = arith.constant 0 : i32
    %dma_wait3A_66 = arith.constant 0 : i32
    %dma_wait3A_67 = tpu.memref_slice %arg6[%dma_wait3A, %dma_wait3A_66] : memref<12288x768xf32, #tpu.memory_space<hbm>> -> memref<12288x768xf32, #tpu.memory_space<hbm>>
    tpu.wait_indirect_dma semaphore(%arg13 : memref<!tpu.dma_semaphore, #tpu.memory_space<semaphore_mem>>) src(%arg12 : memref<128x768xf32, #tpu.memory_space<vmem>>) dst(%dma_wait3A_67 : memref<12288x768xf32, #tpu.memory_space<hbm>>)
    return
  }
}

module attributes {stable_mosaic.version = 14 : i64} {
  func.func @_routing_body(%arg0: i32, %arg1: memref<512x768xf32, #tpu.memory_space<vmem>>, %arg2: memref<64x768xf32, #tpu.memory_space<vmem>>, %arg3: memref<1x64xf32, #tpu.memory_space<vmem>>, %arg4: memref<1x1x512xi32, #tpu.memory_space<vmem>>, %arg5: memref<1x1x512xi32, #tpu.memory_space<vmem>>, %arg6: memref<1x1x256xi32, #tpu.memory_space<vmem>>, %arg7: memref<1x1x128xf32, #tpu.memory_space<vmem>>, %arg8: memref<1x64xf32, #tpu.memory_space<vmem>>, %arg9: memref<1x64xf32, #tpu.memory_space<vmem>>) attributes {dimension_semantics = [#tpu.dimension_semantics<arbitrary>], iteration_bounds = array<i64: 8>, scalar_prefetch = 0 : i64, scratch_operands = 2 : i64, tpu.core_type = #tpu.core_type<tc>, window_params = [{transform_indices = @transform_0, window_bounds = array<i64: 512, 768>}, {pipeline_mode = #tpu.pipeline_mode<synchronous>, transform_indices = @transform_1, window_bounds = array<i64: 64, 768>}, {pipeline_mode = #tpu.pipeline_mode<synchronous>, transform_indices = @transform_2, window_bounds = array<i64: 1, 64>}, {transform_indices = @transform_3, window_bounds = array<i64: 1, 1, 512>}, {transform_indices = @transform_4, window_bounds = array<i64: 1, 1, 512>}, {pipeline_mode = #tpu.pipeline_mode<synchronous>, transform_indices = @transform_5, window_bounds = array<i64: 1, 1, 256>}, {pipeline_mode = #tpu.pipeline_mode<synchronous>, transform_indices = @transform_6, window_bounds = array<i64: 1, 1, 128>}]} {
    %eq3A = arith.constant 0 : i32
    %eq3A_0 = arith.cmpi eq, %arg0, %eq3A : i32
    %convert_element_type3A = arith.extui %eq3A_0 : i1 to i32
    %cond3A = arith.constant 0 : i32
    %cond3A_1 = arith.cmpi ne, %convert_element_type3A, %cond3A : i32
    scf.if %cond3A_1 {
      %broadcast_in_dim3A_73 = arith.constant 0.000000e+00 : f32
      %broadcast_in_dim3A_74 = vector.broadcast %broadcast_in_dim3A_73 : f32 to vector<1x64xf32>
      %swap3A_75 = arith.constant 0 : index
      %swap3A_76 = arith.constant 0 : index
      %swap3A_77 = vector.load %arg8[%swap3A_75, %swap3A_76] : memref<1x64xf32, #tpu.memory_space<vmem>>, vector<1x64xf32>
      tpu.vector_store %arg8[%swap3A_75, %swap3A_76], %broadcast_in_dim3A_74 {strides = array<i32>} : memref<1x64xf32, #tpu.memory_space<vmem>>, vector<1x64xf32>,
      %broadcast_in_dim3A_78 = arith.constant 0.000000e+00 : f32
      %broadcast_in_dim3A_79 = vector.broadcast %broadcast_in_dim3A_78 : f32 to vector<1x64xf32>
      %swap3A_80 = arith.constant 0 : index
      %swap3A_81 = arith.constant 0 : index
      %swap3A_82 = vector.load %arg9[%swap3A_80, %swap3A_81] : memref<1x64xf32, #tpu.memory_space<vmem>>, vector<1x64xf32>
      tpu.vector_store %arg9[%swap3A_80, %swap3A_81], %broadcast_in_dim3A_79 {strides = array<i32>} : memref<1x64xf32, #tpu.memory_space<vmem>>, vector<1x64xf32>,
    } else {
    }
    %get3A = arith.constant 0 : index
    %get3A_2 = arith.constant 0 : index
    %get3A_3 = vector.load %arg1[%get3A, %get3A_2] : memref<512x768xf32, #tpu.memory_space<vmem>>, vector<512x768xf32>
    %get3A_4 = arith.constant 0 : index
    %get3A_5 = arith.constant 0 : index
    %get3A_6 = vector.load %arg2[%get3A_4, %get3A_5] : memref<64x768xf32, #tpu.memory_space<vmem>>, vector<64x768xf32>
    %dot_general3A = arith.constant dense<0.000000e+00> : vector<512x64xf32>
    %dot_general3A_7 = tpu.matmul %get3A_3, %get3A_6, %dot_general3A {dimension_numbers = #tpu.dot_dimension_numbers<[1], [1], [0], [0], [0, 0, 1, 0], [], []>, transpose_lhs_hint = false} : vector<512x768xf32>, vector<64x768xf32>, vector<512x64xf32> -> vector<512x64xf32>
    %get3A_8 = arith.constant 0 : index
    %get3A_9 = arith.constant 0 : index
    %get3A_10 = vector.load %arg3[%get3A_8, %get3A_9] : memref<1x64xf32, #tpu.memory_space<vmem>>, vector<1x64xf32>
    %add3A = vector.broadcast %get3A_10 : vector<1x64xf32> to vector<512x64xf32>
    %add3A_11 = arith.addf %dot_general3A_7, %add3A : vector<512x64xf32>
    %reduce_max3A = arith.constant dense<0xFF800000> : vector<512xf32>
    %reduce_max3A_12 = vector.multi_reduction <maximumf>, %add3A_11, %reduce_max3A [1] : vector<512x64xf32> to vector<512xf32>
    %broadcast_in_dim3A = vector.shape_cast %reduce_max3A_12 : vector<512xf32> to vector<512x1xf32>
    %iota3A = tpu.iota {dimensions = array<i32: 1>} : vector<512x64xi32>
    %eq3A_13 = vector.broadcast %broadcast_in_dim3A : vector<512x1xf32> to vector<512x64xf32>
    %eq3A_14 = arith.cmpf oeq, %add3A_11, %eq3A_13 : vector<512x64xf32>
    %jit3A = arith.constant 64 : i32
    %broadcast_in_dim3A_15 = vector.broadcast %jit3A : i32 to vector<512x64xi32>
    %select_n3A = arith.select %eq3A_14, %iota3A, %broadcast_in_dim3A_15 : vector<512x64xi1>, vector<512x64xi32>
    %reduce_min3A = arith.constant dense<2147483647> : vector<512xi32>
    %reduce_min3A_16 = vector.multi_reduction <minsi>, %select_n3A, %reduce_min3A [1] : vector<512x64xi32> to vector<512xi32>
    %broadcast_in_dim3A_17 = vector.shape_cast %reduce_min3A_16 : vector<512xi32> to vector<512x1xi32>
    %eq3A_18 = vector.broadcast %broadcast_in_dim3A_17 : vector<512x1xi32> to vector<512x64xi32>
    %eq3A_19 = arith.cmpi eq, %iota3A, %eq3A_18 : vector<512x64xi32>
    %convert_element_type3A_20 = arith.extui %eq3A_19 : vector<512x64xi1> to vector<512x64xi32>
    %convert_element_type3A_21 = arith.sitofp %convert_element_type3A_20 : vector<512x64xi32> to vector<512x64xf32>
    %sub3A = vector.broadcast %broadcast_in_dim3A : vector<512x1xf32> to vector<512x64xf32>
    %sub3A_22 = arith.subf %add3A_11, %sub3A : vector<512x64xf32>
    %exp3A = math.exp %sub3A_22 : vector<512x64xf32>
    %reduce_sum3A = arith.constant dense<0.000000e+00> : vector<512xf32>
    %reduce_sum3A_23 = vector.multi_reduction <add>, %exp3A, %reduce_sum3A [1] : vector<512x64xf32> to vector<512xf32>
    %broadcast_in_dim3A_24 = vector.shape_cast %reduce_sum3A_23 : vector<512xf32> to vector<512x1xf32>
    %div3A = vector.broadcast %broadcast_in_dim3A_24 : vector<512x1xf32> to vector<512x64xf32>
    %div3A_25 = arith.divf %exp3A, %div3A : vector<512x64xf32>
    %iota3A_26 = tpu.iota {dimensions = array<i32: 0>} : vector<512x512xi32>
    %iota3A_27 = tpu.iota {dimensions = array<i32: 1>} : vector<512x512xi32>
    %lt3A = arith.cmpi slt, %iota3A_27, %iota3A_26 : vector<512x512xi32>
    %convert_element_type3A_28 = arith.extui %lt3A : vector<512x512xi1> to vector<512x512xi32>
    %convert_element_type3A_29 = arith.sitofp %convert_element_type3A_28 : vector<512x512xi32> to vector<512x512xf32>
    %dot_general3A_30 = arith.constant dense<0.000000e+00> : vector<512x64xf32>
    %dot_general3A_31 = tpu.matmul %convert_element_type3A_29, %convert_element_type3A_21, %dot_general3A_30 {dimension_numbers = #tpu.dot_dimension_numbers<[1], [0], [0], [1], [0, 0, 1, 1], [], []>, transpose_lhs_hint = false} : vector<512x512xf32>, vector<512x64xf32>, vector<512x64xf32> -> vector<512x64xf32>
    %get3A_32 = arith.constant 0 : index
    %get3A_33 = arith.constant 0 : index
    %get3A_34 = vector.load %arg8[%get3A_32, %get3A_33] : memref<1x64xf32, #tpu.memory_space<vmem>>, vector<1x64xf32>
    %add3A_35 = vector.broadcast %get3A_34 : vector<1x64xf32> to vector<512x64xf32>
    %add3A_36 = arith.addf %dot_general3A_31, %add3A_35 : vector<512x64xf32>
    %mul3A = arith.mulf %add3A_36, %convert_element_type3A_21 : vector<512x64xf32>
    %reduce_sum3A_37 = arith.constant dense<0.000000e+00> : vector<512xf32>
    %reduce_sum3A_38 = vector.multi_reduction <add>, %mul3A, %reduce_sum3A_37 [1] : vector<512x64xf32> to vector<512xf32>
    %reshape3A = vector.shape_cast %reduce_min3A_16 : vector<512xi32> to vector<1x1x512xi32>
    %swap3A = arith.constant 0 : index
    %swap3A_39 = arith.constant 0 : index
    %swap3A_40 = arith.constant 0 : index
    %swap3A_41 = vector.load %arg4[%swap3A, %swap3A_39, %swap3A_40] : memref<1x1x512xi32, #tpu.memory_space<vmem>>, vector<1x1x512xi32>
    tpu.vector_store %arg4[%swap3A, %swap3A_39, %swap3A_40], %reshape3A {strides = array<i32>} : memref<1x1x512xi32, #tpu.memory_space<vmem>>, vector<1x1x512xi32>,
    %convert_element_type3A_42 = arith.fptosi %reduce_sum3A_38 : vector<512xf32> to vector<512xi32>
    %reshape3A_43 = vector.shape_cast %convert_element_type3A_42 : vector<512xi32> to vector<1x1x512xi32>
    %swap3A_44 = arith.constant 0 : index
    %swap3A_45 = arith.constant 0 : index
    %swap3A_46 = arith.constant 0 : index
    %swap3A_47 = vector.load %arg5[%swap3A_44, %swap3A_45, %swap3A_46] : memref<1x1x512xi32, #tpu.memory_space<vmem>>, vector<1x1x512xi32>
    tpu.vector_store %arg5[%swap3A_44, %swap3A_45, %swap3A_46], %reshape3A_43 {strides = array<i32>} : memref<1x1x512xi32, #tpu.memory_space<vmem>>, vector<1x1x512xi32>,
    %get3A_48 = arith.constant 0 : index
    %get3A_49 = arith.constant 0 : index
    %get3A_50 = vector.load %arg8[%get3A_48, %get3A_49] : memref<1x64xf32, #tpu.memory_space<vmem>>, vector<1x64xf32>
    %reduce_sum3A_51 = arith.constant dense<0.000000e+00> : vector<64xf32>
    %reduce_sum3A_52 = vector.multi_reduction <add>, %convert_element_type3A_21, %reduce_sum3A_51 [0] : vector<512x64xf32> to vector<64xf32>
    %broadcast_in_dim3A_53 = vector.shape_cast %reduce_sum3A_52 : vector<64xf32> to vector<1x64xf32>
    %add3A_54 = arith.addf %get3A_50, %broadcast_in_dim3A_53 : vector<1x64xf32>
    %swap3A_55 = arith.constant 0 : index
    %swap3A_56 = arith.constant 0 : index
    %swap3A_57 = vector.load %arg8[%swap3A_55, %swap3A_56] : memref<1x64xf32, #tpu.memory_space<vmem>>, vector<1x64xf32>
    tpu.vector_store %arg8[%swap3A_55, %swap3A_56], %add3A_54 {strides = array<i32>} : memref<1x64xf32, #tpu.memory_space<vmem>>, vector<1x64xf32>,
    %get3A_58 = arith.constant 0 : index
    %get3A_59 = arith.constant 0 : index
    %get3A_60 = vector.load %arg9[%get3A_58, %get3A_59] : memref<1x64xf32, #tpu.memory_space<vmem>>, vector<1x64xf32>
    %reduce_sum3A_61 = arith.constant dense<0.000000e+00> : vector<64xf32>
    %reduce_sum3A_62 = vector.multi_reduction <add>, %div3A_25, %reduce_sum3A_61 [0] : vector<512x64xf32> to vector<64xf32>
    %broadcast_in_dim3A_63 = vector.shape_cast %reduce_sum3A_62 : vector<64xf32> to vector<1x64xf32>
    %add3A_64 = arith.addf %get3A_60, %broadcast_in_dim3A_63 : vector<1x64xf32>
    %swap3A_65 = arith.constant 0 : index
    %swap3A_66 = arith.constant 0 : index
    %swap3A_67 = vector.load %arg9[%swap3A_65, %swap3A_66] : memref<1x64xf32, #tpu.memory_space<vmem>>, vector<1x64xf32>
    tpu.vector_store %arg9[%swap3A_65, %swap3A_66], %add3A_64 {strides = array<i32>} : memref<1x64xf32, #tpu.memory_space<vmem>>, vector<1x64xf32>,
    %eq3A_68 = arith.constant 7 : i32
    %eq3A_69 = arith.cmpi eq, %arg0, %eq3A_68 : i32
    %convert_element_type3A_70 = arith.extui %eq3A_69 : i1 to i32
    %cond3A_71 = arith.constant 0 : i32
    %cond3A_72 = arith.cmpi ne, %convert_element_type3A_70, %cond3A_71 : i32
    scf.if %cond3A_72 {
      %get3A_73 = arith.constant 0 : index
      %get3A_74 = arith.constant 0 : index
      %get3A_75 = vector.load %arg8[%get3A_73, %get3A_74] : memref<1x64xf32, #tpu.memory_space<vmem>>, vector<1x64xf32>
      %convert_element_type3A_76 = arith.fptosi %get3A_75 : vector<1x64xf32> to vector<1x64xi32>
      %add3A_77 = arith.constant 127 : i32
      %add3A_78 = vector.broadcast %add3A_77 : i32 to vector<1x64xi32>
      %add3A_79 = arith.addi %convert_element_type3A_76, %add3A_78 : vector<1x64xi32>
      %jit3A_80 = arith.constant 128 : i32
      %div3A_81 = vector.broadcast %jit3A_80 : i32 to vector<1x64xi32>
      %div3A_82 = arith.divsi %add3A_79, %div3A_81 : vector<1x64xi32>
      %sign3A = arith.constant 0 : i32
      %sign3A_83 = vector.broadcast %sign3A : i32 to vector<1x64xi32>
      %sign3A_84 = arith.cmpi sgt, %add3A_79, %sign3A_83 : vector<1x64xi32>
      %sign3A_85 = arith.extui %sign3A_84 : vector<1x64xi1> to vector<1x64xi32>
      %sign3A_86 = arith.constant 0 : i32
      %sign3A_87 = vector.broadcast %sign3A_86 : i32 to vector<1x64xi32>
      %sign3A_88 = arith.cmpi slt, %add3A_79, %sign3A_87 : vector<1x64xi32>
      %sign3A_89 = arith.extui %sign3A_88 : vector<1x64xi1> to vector<1x64xi32>
      %sign3A_90 = arith.subi %sign3A_85, %sign3A_89 : vector<1x64xi32>
      %sign3A_91 = arith.constant 0 : i32
      %sign3A_92 = arith.cmpi sgt, %jit3A_80, %sign3A_91 : i32
      %sign3A_93 = arith.extui %sign3A_92 : i1 to i32
      %sign3A_94 = arith.constant 0 : i32
      %sign3A_95 = arith.cmpi slt, %jit3A_80, %sign3A_94 : i32
      %sign3A_96 = arith.extui %sign3A_95 : i1 to i32
      %sign3A_97 = arith.subi %sign3A_93, %sign3A_96 : i32
      %ne3A = vector.broadcast %sign3A_97 : i32 to vector<1x64xi32>
      %ne3A_98 = arith.cmpi ne, %sign3A_90, %ne3A : vector<1x64xi32>
      %rem3A = vector.broadcast %jit3A_80 : i32 to vector<1x64xi32>
      %rem3A_99 = arith.remsi %add3A_79, %rem3A : vector<1x64xi32>
      %ne3A_100 = arith.constant 0 : i32
      %ne3A_101 = vector.broadcast %ne3A_100 : i32 to vector<1x64xi32>
      %ne3A_102 = arith.cmpi ne, %rem3A_99, %ne3A_101 : vector<1x64xi32>
      %and3A = arith.andi %ne3A_98, %ne3A_102 : vector<1x64xi1>
      %sub3A_103 = arith.constant 1 : i32
      %sub3A_104 = vector.broadcast %sub3A_103 : i32 to vector<1x64xi32>
      %sub3A_105 = arith.subi %div3A_82, %sub3A_104 : vector<1x64xi32>
      %select_n3A_106 = arith.select %and3A, %sub3A_105, %div3A_82 : vector<1x64xi1>, vector<1x64xi32>
      %iota3A_107 = tpu.iota {dimensions = array<i32: 0>} : vector<64x64xi32>
      %iota3A_108 = tpu.iota {dimensions = array<i32: 1>} : vector<64x64xi32>
      %le3A = arith.cmpi sle, %iota3A_107, %iota3A_108 : vector<64x64xi32>
      %convert_element_type3A_109 = arith.extui %le3A : vector<64x64xi1> to vector<64x64xi32>
      %convert_element_type3A_110 = arith.sitofp %convert_element_type3A_109 : vector<64x64xi32> to vector<64x64xf32>
      %convert_element_type3A_111 = arith.sitofp %select_n3A_106 : vector<1x64xi32> to vector<1x64xf32>
      %dot_general3A_112 = arith.constant dense<0.000000e+00> : vector<1x64xf32>
      %dot_general3A_113 = tpu.matmul %convert_element_type3A_111, %convert_element_type3A_110, %dot_general3A_112 {dimension_numbers = #tpu.dot_dimension_numbers<[1], [0], [0], [1], [0, 0, 1, 1], [], []>, transpose_lhs_hint = false} : vector<1x64xf32>, vector<64x64xf32>, vector<1x64xf32> -> vector<1x64xf32>
      %convert_element_type3A_114 = arith.fptosi %dot_general3A_113 : vector<1x64xf32> to vector<1x64xi32>
      %sub3A_115 = arith.subi %convert_element_type3A_114, %select_n3A_106 : vector<1x64xi32>
      %mul3A_116 = arith.constant 128 : i32
      %mul3A_117 = vector.broadcast %mul3A_116 : i32 to vector<1x64xi32>
      %mul3A_118 = arith.muli %sub3A_115, %mul3A_117 : vector<1x64xi32>
      %reduce_sum3A_119 = vector.shape_cast %select_n3A_106 : vector<1x64xi32> to vector<1x1x64xi32>
      %reduce_sum3A_120 = arith.constant dense<0> : vector<1xi32>
      %reduce_sum3A_121 = vector.multi_reduction <add>, %reduce_sum3A_119, %reduce_sum3A_120 [1, 2] : vector<1x1x64xi32> to vector<1xi32>
      %reduce_sum3A_122 = vector.shape_cast %reduce_sum3A_121 : vector<1xi32> to vector<1x1x1xi32>
      %reduce_sum3A_123 = vector.extract %reduce_sum3A_122[0, 0, 0] : i32 from vector<1x1x1xi32>
      %iota3A_124 = tpu.iota {dimensions = array<i32: 0>} : vector<96x64xi32>
      %sub3A_125 = arith.constant 1 : i32
      %sub3A_126 = arith.subi %reduce_sum3A_123, %sub3A_125 : i32
      %min3A = vector.broadcast %sub3A_126 : i32 to vector<96x64xi32>
      %min3A_127 = arith.minsi %iota3A_124, %min3A : vector<96x64xi32>
      %broadcast_in_dim3A_128 = vector.shape_cast %convert_element_type3A_114 : vector<1x64xi32> to vector<1x64xi32>
      %broadcast_in_dim3A_129 = vector.broadcast %broadcast_in_dim3A_128 : vector<1x64xi32> to vector<96x64xi32>
      %le3A_130 = arith.cmpi sle, %broadcast_in_dim3A_129, %min3A_127 : vector<96x64xi32>
      %convert_element_type3A_131 = arith.extui %le3A_130 : vector<96x64xi1> to vector<96x64xi32>
      %reduce_sum3A_132 = arith.constant dense<0> : vector<96xi32>
      %reduce_sum3A_133 = vector.multi_reduction <add>, %convert_element_type3A_131, %reduce_sum3A_132 [1] : vector<96x64xi32> to vector<96xi32>
      %iota3A_134 = tpu.iota {dimensions = array<i32: 1>} : vector<1x96xi32>
      %iota3A_135 = vector.shape_cast %iota3A_134 : vector<1x96xi32> to vector<96xi32>
      %sub3A_136 = arith.constant 1 : i32
      %sub3A_137 = arith.subi %reduce_sum3A_123, %sub3A_136 : i32
      %min3A_138 = vector.broadcast %sub3A_137 : i32 to vector<96xi32>
      %min3A_139 = arith.minsi %iota3A_135, %min3A_138 : vector<96xi32>
      %reshape3A_140 = vector.shape_cast %mul3A_118 : vector<1x64xi32> to vector<64xi32>
      %concatenate3A = tpu.concatenate %reshape3A_140, %reduce_sum3A_133, %min3A_139 in 0 : vector<64xi32>, vector<96xi32>, vector<96xi32> -> vector<256xi32>
      %reshape3A_141 = vector.shape_cast %concatenate3A : vector<256xi32> to vector<1x1x256xi32>
      %swap3A_142 = arith.constant 0 : index
      %swap3A_143 = arith.constant 0 : index
      %swap3A_144 = arith.constant 0 : index
      %swap3A_145 = vector.load %arg6[%swap3A_142, %swap3A_143, %swap3A_144] : memref<1x1x256xi32, #tpu.memory_space<vmem>>, vector<1x1x256xi32>
      tpu.vector_store %arg6[%swap3A_142, %swap3A_143, %swap3A_144], %reshape3A_141 {strides = array<i32>} : memref<1x1x256xi32, #tpu.memory_space<vmem>>, vector<1x1x256xi32>,
      %get3A_146 = arith.constant 0 : index
      %get3A_147 = arith.constant 0 : index
      %get3A_148 = vector.load %arg9[%get3A_146, %get3A_147] : memref<1x64xf32, #tpu.memory_space<vmem>>, vector<1x64xf32>
      %mul3A_149 = arith.mulf %get3A_75, %get3A_148 : vector<1x64xf32>
      %reduce_sum3A_150 = vector.shape_cast %mul3A_149 : vector<1x64xf32> to vector<1x1x64xf32>
      %reduce_sum3A_151 = arith.constant dense<0.000000e+00> : vector<1xf32>
      %reduce_sum3A_152 = vector.multi_reduction <add>, %reduce_sum3A_150, %reduce_sum3A_151 [1, 2] : vector<1x1x64xf32> to vector<1xf32>
      %reduce_sum3A_153 = vector.shape_cast %reduce_sum3A_152 : vector<1xf32> to vector<1x1x1xf32>
      %reduce_sum3A_154 = vector.extract %reduce_sum3A_153[0, 0, 0] : f32 from vector<1x1x1xf32>
      %mul3A_155 = arith.constant 3.81469727E-6 : f32
      %mul3A_156 = arith.mulf %mul3A_155, %reduce_sum3A_154 : f32
      %broadcast_in_dim3A_157 = vector.broadcast %mul3A_156 : f32 to vector<1x1x128xf32>
      %swap3A_158 = arith.constant 0 : index
      %swap3A_159 = arith.constant 0 : index
      %swap3A_160 = arith.constant 0 : index
      %swap3A_161 = vector.load %arg7[%swap3A_158, %swap3A_159, %swap3A_160] : memref<1x1x128xf32, #tpu.memory_space<vmem>>, vector<1x1x128xf32>
      tpu.vector_store %arg7[%swap3A_158, %swap3A_159, %swap3A_160], %broadcast_in_dim3A_157 {strides = array<i32>} : memref<1x1x128xf32, #tpu.memory_space<vmem>>, vector<1x1x128xf32>,
    } else {
    }
    return
  }
  func.func @transform_0(%arg0: i32) -> (i32, i32) {
    %c0_i32 = arith.constant 0 : i32
    %c0_i32_0 = arith.constant 0 : i32
    return %arg0, %c0_i32 : i32, i32
  }
  func.func @transform_1(%arg0: i32) -> (i32, i32) {
    %c0_i32 = arith.constant 0 : i32
    %c0_i32_0 = arith.constant 0 : i32
    %c0_i32_1 = arith.constant 0 : i32
    return %c0_i32, %c0_i32_0 : i32, i32
  }
  func.func @transform_2(%arg0: i32) -> (i32, i32) {
    %c0_i32 = arith.constant 0 : i32
    %c0_i32_0 = arith.constant 0 : i32
    %c0_i32_1 = arith.constant 0 : i32
    return %c0_i32, %c0_i32_0 : i32, i32
  }
  func.func @transform_3(%arg0: i32) -> (i32, i32, i32) {
    %c0_i32 = arith.constant 0 : i32
    %c0_i32_0 = arith.constant 0 : i32
    %c0_i32_1 = arith.constant 0 : i32
    return %arg0, %c0_i32, %c0_i32_0 : i32, i32, i32
  }
  func.func @transform_4(%arg0: i32) -> (i32, i32, i32) {
    %c0_i32 = arith.constant 0 : i32
    %c0_i32_0 = arith.constant 0 : i32
    %c0_i32_1 = arith.constant 0 : i32
    return %arg0, %c0_i32, %c0_i32_0 : i32, i32, i32
  }
  func.func @transform_5(%arg0: i32) -> (i32, i32, i32) {
    %c0_i32 = arith.constant 0 : i32
    %c0_i32_0 = arith.constant 0 : i32
    %c0_i32_1 = arith.constant 0 : i32
    %c0_i32_2 = arith.constant 0 : i32
    return %c0_i32, %c0_i32_0, %c0_i32_1 : i32, i32, i32
  }
  func.func @transform_6(%arg0: i32) -> (i32, i32, i32) {
    %c0_i32 = arith.constant 0 : i32
    %c0_i32_0 = arith.constant 0 : i32
    %c0_i32_1 = arith.constant 0 : i32
    %c0_i32_2 = arith.constant 0 : i32
    return %c0_i32, %c0_i32_0, %c0_i32_1 : i32, i32, i32
  }
}

module attributes {stable_mosaic.version = 14 : i64} {
  func.func @_ffn_body(%arg0: i32, %arg1: memref<96xi32, #tpu.memory_space<smem>>, %arg2: memref<96xi32, #tpu.memory_space<smem>>, %arg3: memref<128x768xf32, #tpu.memory_space<vmem>>, %arg4: memref<1x1024x768xf32, #tpu.memory_space<vmem>>, %arg5: memref<1x1x1024xf32, #tpu.memory_space<vmem>>, %arg6: memref<1x768x1024xf32, #tpu.memory_space<vmem>>, %arg7: memref<1x1x768xf32, #tpu.memory_space<vmem>>, %arg8: memref<128x768xf32, #tpu.memory_space<vmem>>) attributes {dimension_semantics = [#tpu.dimension_semantics<arbitrary>], iteration_bounds = array<i64: 96>, scalar_prefetch = 2 : i64, scratch_operands = 0 : i64, tpu.core_type = #tpu.core_type<tc>, window_params = [{transform_indices = @transform_0, window_bounds = array<i64: 128, 768>}, {transform_indices = @transform_1, window_bounds = array<i64: 1, 1024, 768>}, {transform_indices = @transform_2, window_bounds = array<i64: 1, 1, 1024>}, {transform_indices = @transform_3, window_bounds = array<i64: 1, 768, 1024>}, {transform_indices = @transform_4, window_bounds = array<i64: 1, 1, 768>}, {transform_indices = @transform_5, window_bounds = array<i64: 128, 768>}]} {
    %get3A = arith.index_cast %arg0 : i32 to index
    %get3A_0 = memref.load %arg2[%get3A] : memref<96xi32, #tpu.memory_space<smem>>
    %eq3A = arith.cmpi eq, %get3A_0, %arg0 : i32
    %convert_element_type3A = arith.extui %eq3A : i1 to i32
    %cond3A = arith.constant 0 : i32
    %cond3A_1 = arith.cmpi ne, %convert_element_type3A, %cond3A : i32
    scf.if %cond3A_1 {
      %get3A_2 = arith.constant 0 : index
      %get3A_3 = arith.constant 0 : index
      %get3A_4 = vector.load %arg3[%get3A_2, %get3A_3] : memref<128x768xf32, #tpu.memory_space<vmem>>, vector<128x768xf32>
      %get3A_5 = arith.constant 0 : index
      %get3A_6 = arith.constant 0 : index
      %get3A_7 = arith.constant 0 : index
      %get3A_8 = vector.load %arg4[%get3A_5, %get3A_6, %get3A_7] : memref<1x1024x768xf32, #tpu.memory_space<vmem>>, vector<1x1024x768xf32>
      %get3A_9 = vector.shape_cast %get3A_8 : vector<1x1024x768xf32> to vector<1024x768xf32>
      %dot_general3A = arith.constant dense<0.000000e+00> : vector<128x1024xf32>
      %dot_general3A_10 = tpu.matmul %get3A_4, %get3A_9, %dot_general3A {dimension_numbers = #tpu.dot_dimension_numbers<[1], [1], [0], [0], [0, 0, 1, 0], [], []>, transpose_lhs_hint = false} : vector<128x768xf32>, vector<1024x768xf32>, vector<128x1024xf32> -> vector<128x1024xf32>
      %get3A_11 = arith.constant 0 : index
      %get3A_12 = arith.constant 0 : index
      %get3A_13 = arith.constant 0 : index
      %get3A_14 = vector.load %arg5[%get3A_11, %get3A_12, %get3A_13] : memref<1x1x1024xf32, #tpu.memory_space<vmem>>, vector<1x1x1024xf32>
      %get3A_15 = vector.shape_cast %get3A_14 : vector<1x1x1024xf32> to vector<1x1024xf32>
      %add3A = vector.broadcast %get3A_15 : vector<1x1024xf32> to vector<128x1024xf32>
      %add3A_16 = arith.addf %dot_general3A_10, %add3A : vector<128x1024xf32>
      %mul3A = arith.constant 0.707106769 : f32
      %mul3A_17 = vector.broadcast %mul3A : f32 to vector<128x1024xf32>
      %mul3A_18 = arith.mulf %add3A_16, %mul3A_17 : vector<128x1024xf32>
      %erf3A = math.erf %mul3A_18 : vector<128x1024xf32>
      %add3A_19 = arith.constant 1.000000e+00 : f32
      %add3A_20 = vector.broadcast %add3A_19 : f32 to vector<128x1024xf32>
      %add3A_21 = arith.addf %erf3A, %add3A_20 : vector<128x1024xf32>
      %mul3A_22 = arith.mulf %add3A_16, %add3A_21 : vector<128x1024xf32>
      %mul3A_23 = arith.constant 5.000000e-01 : f32
      %mul3A_24 = vector.broadcast %mul3A_23 : f32 to vector<128x1024xf32>
      %mul3A_25 = arith.mulf %mul3A_22, %mul3A_24 : vector<128x1024xf32>
      %get3A_26 = arith.constant 0 : index
      %get3A_27 = arith.constant 0 : index
      %get3A_28 = arith.constant 0 : index
      %get3A_29 = vector.load %arg6[%get3A_26, %get3A_27, %get3A_28] : memref<1x768x1024xf32, #tpu.memory_space<vmem>>, vector<1x768x1024xf32>
      %get3A_30 = vector.shape_cast %get3A_29 : vector<1x768x1024xf32> to vector<768x1024xf32>
      %dot_general3A_31 = arith.constant dense<0.000000e+00> : vector<128x768xf32>
      %dot_general3A_32 = tpu.matmul %mul3A_25, %get3A_30, %dot_general3A_31 {dimension_numbers = #tpu.dot_dimension_numbers<[1], [1], [0], [0], [0, 0, 1, 0], [], []>, transpose_lhs_hint = false} : vector<128x1024xf32>, vector<768x1024xf32>, vector<128x768xf32> -> vector<128x768xf32>
      %get3A_33 = arith.constant 0 : index
      %get3A_34 = arith.constant 0 : index
      %get3A_35 = arith.constant 0 : index
      %get3A_36 = vector.load %arg7[%get3A_33, %get3A_34, %get3A_35] : memref<1x1x768xf32, #tpu.memory_space<vmem>>, vector<1x1x768xf32>
      %get3A_37 = vector.shape_cast %get3A_36 : vector<1x1x768xf32> to vector<1x768xf32>
      %add3A_38 = vector.broadcast %get3A_37 : vector<1x768xf32> to vector<128x768xf32>
      %add3A_39 = arith.addf %dot_general3A_32, %add3A_38 : vector<128x768xf32>
      %swap3A = arith.constant 0 : index
      %swap3A_40 = arith.constant 0 : index
      %swap3A_41 = vector.load %arg8[%swap3A, %swap3A_40] : memref<128x768xf32, #tpu.memory_space<vmem>>, vector<128x768xf32>
      tpu.vector_store %arg8[%swap3A, %swap3A_40], %add3A_39 {strides = array<i32>} : memref<128x768xf32, #tpu.memory_space<vmem>>, vector<128x768xf32>,
    } else {
    }
    return
  }
  func.func @transform_0(%arg0: i32, %arg1: memref<96xi32, #tpu.memory_space<smem>>, %arg2: memref<96xi32, #tpu.memory_space<smem>>) -> (i32, i32) {
    %get3A = arith.index_cast %arg0 : i32 to index
    %get3A_0 = memref.load %arg2[%get3A] : memref<96xi32, #tpu.memory_space<smem>>
    %c0_i32 = arith.constant 0 : i32
    %c0_i32_1 = arith.constant 0 : i32
    return %get3A_0, %c0_i32 : i32, i32
  }
  func.func @transform_1(%arg0: i32, %arg1: memref<96xi32, #tpu.memory_space<smem>>, %arg2: memref<96xi32, #tpu.memory_space<smem>>) -> (i32, i32, i32) {
    %get3A = arith.index_cast %arg0 : i32 to index
    %get3A_0 = memref.load %arg1[%get3A] : memref<96xi32, #tpu.memory_space<smem>>
    %c0_i32 = arith.constant 0 : i32
    %c0_i32_1 = arith.constant 0 : i32
    %c0_i32_2 = arith.constant 0 : i32
    return %get3A_0, %c0_i32, %c0_i32_1 : i32, i32, i32
  }
  func.func @transform_2(%arg0: i32, %arg1: memref<96xi32, #tpu.memory_space<smem>>, %arg2: memref<96xi32, #tpu.memory_space<smem>>) -> (i32, i32, i32) {
    %get3A = arith.index_cast %arg0 : i32 to index
    %get3A_0 = memref.load %arg1[%get3A] : memref<96xi32, #tpu.memory_space<smem>>
    %c0_i32 = arith.constant 0 : i32
    %c0_i32_1 = arith.constant 0 : i32
    %c0_i32_2 = arith.constant 0 : i32
    return %get3A_0, %c0_i32, %c0_i32_1 : i32, i32, i32
  }
  func.func @transform_3(%arg0: i32, %arg1: memref<96xi32, #tpu.memory_space<smem>>, %arg2: memref<96xi32, #tpu.memory_space<smem>>) -> (i32, i32, i32) {
    %get3A = arith.index_cast %arg0 : i32 to index
    %get3A_0 = memref.load %arg1[%get3A] : memref<96xi32, #tpu.memory_space<smem>>
    %c0_i32 = arith.constant 0 : i32
    %c0_i32_1 = arith.constant 0 : i32
    %c0_i32_2 = arith.constant 0 : i32
    return %get3A_0, %c0_i32, %c0_i32_1 : i32, i32, i32
  }
  func.func @transform_4(%arg0: i32, %arg1: memref<96xi32, #tpu.memory_space<smem>>, %arg2: memref<96xi32, #tpu.memory_space<smem>>) -> (i32, i32, i32) {
    %get3A = arith.index_cast %arg0 : i32 to index
    %get3A_0 = memref.load %arg1[%get3A] : memref<96xi32, #tpu.memory_space<smem>>
    %c0_i32 = arith.constant 0 : i32
    %c0_i32_1 = arith.constant 0 : i32
    %c0_i32_2 = arith.constant 0 : i32
    return %get3A_0, %c0_i32, %c0_i32_1 : i32, i32, i32
  }
  func.func @transform_5(%arg0: i32, %arg1: memref<96xi32, #tpu.memory_space<smem>>, %arg2: memref<96xi32, #tpu.memory_space<smem>>) -> (i32, i32) {
    %get3A = arith.index_cast %arg0 : i32 to index
    %get3A_0 = memref.load %arg2[%get3A] : memref<96xi32, #tpu.memory_space<smem>>
    %c0_i32 = arith.constant 0 : i32
    %c0_i32_1 = arith.constant 0 : i32
    return %get3A_0, %c0_i32 : i32, i32
  }
}

</mosaic_0001>

<sc_bundles>
// kernel: kernel.6.cloned.1.call-start
scs
__scs_entry_jumppad:
0x0: {  	(pc) =	sbr.rel $0x88, $3  }
0x1: {  	(tag) =	ssettag $0x0;
	lr =	simm.s32 $0x1  }
0x2: {  	[smem:$0x3F9A] =	sst lr;
	_ =	strace $0xD0000000  }
0x3: {  	_ = 	snop  }
0x4: {  	_ = 	snop  }
0x5: {  	_ = 	snop  }
0x6: {  	_ = 	snop  }
0x7: {  	_ = 	snop  }
__scs_overlays_trampoline_lowered:
0x8: {  	[smem:$0x3FA9] =	sst s0  }
0x9: {  	[smem:$0x3FAA] =	sst s1  }
0xa: {  	[smem:$0x3FAB] =	sst s2  }
0xb: {  	[smem:$0x3FAC] =	sst s3  }
0xc: {  	[smem:$0x3FAD] =	sst s4  }
0xd: {  	[smem:$0x3FAE] =	sst s5  }
0xe: {  	[smem:$0x3FAF] =	sst s6  }
0xf: {  	[smem:$0x3FB0] =	sst s7  }
0x10: {  	[smem:$0x3FB1] =	sst s8  }
0x11: {  	[smem:$0x3FB2] =	sst s9;
	s0 =	simm.s32 @!p0 $0x0  }
0x12: {  	s1 =	sld [smem:$0x3F98];
	s0 =	simm.s32 @p0 $0x1  }
0x13: {  	[smem:$0x3FB3] =	sst s0;
	s0 =	simm.s32 @!p1 $0x0  }
0x14: {  	s2 =	sld [smem:$0x3F97];
	s0 =	simm.s32 @p1 $0x1  }
0x15: {  	[smem:$0x3FB4] =	sst s0;
	s0 =	simm.s32 @!p2 $0x0  }
0x16: {  	s3 =	sld [smem:$0x3FDB];
	s0 =	simm.s32 @p2 $0x1  }
0x17: {  	s4 =	simm.s32 $0x1BF5;
	[smem:$0x3FB6] =	sst s0  }
0x18: {  	s0 =	sld [smem:$0x3F99];
	_ =	swait.ge [sflag:s4], $0x0  }
0x19: {  	s7 =	sld [smem:$0x3F9A]  }
0x1a: {  	s8 =	sadd.s32 $0xFFFFE003, lr  }
0x1b: {  	s9 =	sadd.s32 $0xFFFFFEF7, lr;
	s5 =	simm.s32 $0xFFFFFFFF;
	p2 =	slt.u32 s8, $0xFFFFF086  }
0x1c: {  	p1 =	slt.u32 s9, $0xF7A;
	s5 =	simm.s32 @!p2 $0x0  }
0x1d: {  	s5 =	simm.s32 @p1 $0x1;
	p0 =	seq.s32 s7, s2  }
0x1e: {  	s7 =	smul.u32 @!p0 $0xF7A, s2;
	p2 =	seq.s32 @!p0 s5, $0x0  }
0x1f: {  	s9 =	smul.u32 $0xF7A, s1;
	s8 =	simm.s32 @!p0 $0x1BF5;
	p2 =	por !p2, p0  }
0x20: {  	[sflag:s8] =	ssyncset.s32 @!p0 $0xFFFFF086;
	s6 =	sadd.s32 @!p0 s3, s7;
	s7 =	simm.s32 @!p0 $0x108  }
0x21: {  	s3 =	sadd.s32 s3, s9;
	s6 =	sadd.s32 @!p0 $0x88, s6;
	s7 =	simm.s32 @p2 $0x1082  }
0x22: {  	[simem:s7], [sflag:s8] =	dma.local @!p0 [hbm:s6], $0xF7A  }
0x23: {  	s9 =	sor.u32 $0xD0000000, s2;
	s6 =	simm.s32 $0x108;
	_ =	swait.ge @!p0 [sflag:s8], $0x0  }
0x24: {  	s3 =	sadd.s32 $0x88, s3;
	s6 =	simm.s32 @!p1 $0x1082;
	[sflag:s4] =	ssyncset.s32 $0xFFFFF086  }
0x25: {  	[simem:s6], [sflag:s4] =	dma.local [hbm:s3], $0xF7A  }
0x26: {  	[smem:$0x3F9A] =	sst s1;
	(tag) =	ssettag s2;
	_ =	strace s9  }
0x27: {  	s1 =	sld [smem:$0x3FAA]  }
0x28: {  	s2 =	sld [smem:$0x3FAB]  }
0x29: {  	s4 =	sld [smem:$0x3FAD]  }
0x2a: {  	p0 =	seq.s32 s5, $0x0;
	s5 =	sld [smem:$0x3FAE]  }
0x2b: {  	s6 =	sld [smem:$0x3FAF]  }
0x2c: {  	s7 =	sld [smem:$0x3FB0]  }
0x2d: {  	s3 =	simm.s32 $0x108;
	s8 =	sld [smem:$0x3FB1]  }
0x2e: {  	s3 =	simm.s32 @!p0 $0x1082;
	s9 =	sld [smem:$0x3FB2]  }
0x2f: {  	lr =	sadd.s32 s0, s3;
	s0 =	sld [smem:$0x3FA9]  }
0x30: {  	s3 =	sld [smem:$0x3FAC]  }
0x31: {  	[smem:$0x3FB5] =	sst s10  }
0x32: {  	s10 =	sld [smem:$0x3FB3];
	_ =	sdelay $0x3  }
0x33: {  	p0 =	seq.s32 s10, $0x1;
	s10 =	sld [smem:$0x3FB5];
	_ =	sdelay $0x3  }
0x34: {  	[smem:$0x3FB5] =	sst s10  }
0x35: {  	s10 =	sld [smem:$0x3FB4];
	_ =	sdelay $0x3  }
0x36: {  	p1 =	seq.s32 s10, $0x1;
	s10 =	sld [smem:$0x3FB5];
	_ =	sdelay $0x3  }
0x37: {  	[smem:$0x3FB5] =	sst s10  }
0x38: {  	s10 =	sld [smem:$0x3FB6]  }
0x39: {  	_ = 	snop;
	(pc) =	sbr.ind lr, $3  }
0x3a: {  	_ = 	snop  }
0x3b: {  	_ = 	snop  }
0x3c: {  	p2 =	seq.s32 s10, $0x1;
	s10 =	sld [smem:$0x3FB5]  }
0x3d: {  	_ =	shalt  }
0x3e: {  	_ =	shalt  }
0x3f: {  	_ =	shalt  }
0x40: {  	_ =	shalt  }
0x41: {  	_ =	shalt  }
0x42: {  	_ =	shalt  }
0x43: {  	_ =	shalt  }
0x44: {  	_ =	shalt  }
0x45: {  	_ =	shalt  }
0x46: {  	_ =	shalt  }
0x47: {  	_ =	shalt  }
0x48: {  	_ =	shalt  }
0x49: {  	_ =	shalt  }
0x4a: {  	_ =	shalt  }
0x4b: {  	_ =	shalt  }
0x4c: {  	_ =	shalt  }
0x4d: {  	_ =	shalt  }
0x4e: {  	_ =	shalt  }
0x4f: {  	_ =	shalt  }
0x50: {  	_ =	shalt  }
0x51: {  	_ =	shalt  }
0x52: {  	_ =	shalt  }
0x53: {  	_ =	shalt  }
0x54: {  	_ =	shalt  }
0x55: {  	_ =	shalt  }
0x56: {  	_ =	shalt  }
0x57: {  	_ =	shalt  }
0x58: {  	_ =	shalt  }
0x59: {  	_ =	shalt  }
0x5a: {  	_ =	shalt  }
0x5b: {  	_ =	shalt  }
0x5c: {  	_ =	shalt  }
0x5d: {  	_ =	shalt  }
0x5e: {  	_ =	shalt  }
0x5f: {  	_ =	shalt  }
0x60: {  	_ =	shalt  }
0x61: {  	_ =	shalt  }
0x62: {  	_ =	shalt  }
0x63: {  	_ =	shalt  }
0x64: {  	_ =	shalt  }
0x65: {  	_ =	shalt  }
0x66: {  	_ =	shalt  }
0x67: {  	_ =	shalt  }
0x68: {  	_ =	shalt  }
0x69: {  	_ =	shalt  }
0x6a: {  	_ =	shalt  }
0x6b: {  	_ =	shalt  }
0x6c: {  	_ =	shalt  }
0x6d: {  	_ =	shalt  }
0x6e: {  	_ =	shalt  }
0x6f: {  	_ =	shalt  }
0x70: {  	_ =	shalt  }
0x71: {  	_ =	shalt  }
0x72: {  	_ =	shalt  }
0x73: {  	_ =	shalt  }
0x74: {  	_ =	shalt  }
0x75: {  	_ =	shalt  }
0x76: {  	_ =	shalt  }
0x77: {  	_ =	shalt  }
0x78: {  	_ =	shalt  }
0x79: {  	_ =	shalt  }
0x7a: {  	_ =	shalt  }
0x7b: {  	_ =	shalt  }
0x7c: {  	_ =	shalt  }
0x7d: {  	_ =	shalt  }
0x7e: {  	_ =	shalt  }
0x7f: {  	_ =	shalt  }
0x80: {  	_ =	shalt  }
0x81: {  	_ =	shalt  }
0x82: {  	_ =	shalt  }
0x83: {  	_ =	shalt  }
0x84: {  	_ =	shalt  }
0x85: {  	_ =	shalt  }
0x86: {  	_ =	shalt  }
0x87: {  	_ =	shalt  }
.Lfunc_end0:
.L_simem_size_0:
called_computation_lowered:
.L_overlay_start_0:
0x88: {  	s2 =	sld [smem:$0x3FD9]  }
0x89: {  	s3 =	sld [smem:$0x3FFE];
	_ =	sdelay $0x1  }
0x8a: {  	s1 =	srdreg.scid  }
0x8b: {  	s0 =	sand.u32 $0x1, s1  }
0x8c: {  	s14 =	sshll.u32 s0, $0xA;
	s2 =	sadd.s32 s3, s2  }
0x8d: {  	s2 =	sadd.s32 s2, s14  }
0x8e: {  	[smem:$0x3FC1] =	sst s2  }
0x8f: {  	_ = 	snop  }
0x90: {  	s2 =	sld [smem:$0x3FD0];
	_ =	sdelay $0x2  }
0x91: {  	s4 =	simm.s32 $0xA;
	s5 =	simm.s32 $0x10;
	s15 =	sld [smem:$0x3FC9]  }
0x92: {  	[smem:s5], [sflag:s4] =	dma.local [hbm:s2], $0x1  }
0x93: {  	_ =	swait.eq [sflag:s4], $0x1  }
0x94: {  	[sflag:s4] =	ssyncset.done $0x0  }
0x95: {  	[sflag:s4] =	ssyncadd.s32 $0xFFFFFFFF  }
0x96: {  	s16 =	sld [smem:$0x10];
	(tm) =	ssettm $0x1  }
0x97: {  	s17 =	sld [smem:$0x3FFB];
	_ =	sdelay $0x3  }
0x98: {  	_ =	strace s17  }
0x99: {  	s4 =	sld [smem:$0x3FFC];
	_ =	sdelay $0x3  }
0x9a: {  	_ =	strace s4  }
0x9b: {  	s4 =	sld [smem:$0x3FFD];
	_ =	sdelay $0x3  }
0x9c: {  	_ =	strace s4  }
0x9d: {  	_ =	strace $0x8FFFFFFF  }
0x9e: {  	s18 =	sld [smem:$0x3FDB];
	_ =	sdelay $0x1  }
0x9f: {  	s19 =	simm.s32 $_scs_section_size  }
0xa0: {  	s6 =	simm.s32 $_size__tile_overlayer_lowered;
	s7 =	simm.s32 $_tile_overlayer_lowered  }
0xa1: {  	s22 =	simm.s32 $0x1BFF;
	s21 =	sshll.u32 s7, $0x1;
	s4 =	sadd.s32 s19, s18  }
0xa2: {  	s8 =	simm.s32 $0x0;
	s20 =	sshll.u32 s6, $0x1;
	s6 =	sadd.s32 s21, s4  }
0xa3: {  	[timem:s8], [sflag:s22] =	dma.local [hbm:s6], s20  }
0xa4: {  	_ =	swait.ge [sflag:s22], s20  }
0xa5: {  	s5 =	ssub.s32 $0x0, s20;
	[sflag:s22] =	ssyncset.done $0x0  }
0xa6: {  	[sflag:s22] =	ssyncadd.s32 s5;
	_ =	sdelay $0x1  }
0xa7: {  	s23 =	simm.s32 $0x1B8B  }
0xa8: {  	_ =	swait.ge [sflag:s23], $0x1  }
0xa9: {  	[sflag:s23] =	ssyncset.done $0x0  }
0xaa: {  	s25 =	simm.s32 $0x1B8E;
	s24 =	sld [smem:$0x3FFE];
	[sflag:s23] =	ssyncadd.s32 $0xFFFFFFFF  }
0xab: {  	s26 =	simm.s32 $execute0_lowered;
	[smem:$0x3FD2] =	sst s25  }
0xac: {  	s6 =	sshll.u32 s26, $0x1;
	_ =	strace $0x80000046;
	[dreg:$0x1] =	wrdreg $0xFFFFFFFF  }
0xad: {  	s28 =	simm.s32 $_size_execute0_lowered;
	s4 =	sadd.s32 s4, s6;
	[dreg:$0x0] =	wrdreg $0x0  }
0xae: {  	s6 =	sshll.u32 s28, $0x1;
	[dreg:$0x2] =	wrdreg s4  }
0xaf: {  	[dreg:$0x3] =	wrdreg s6  }
0xb0: {  	[dreg:$0x4] =	wrdreg $0xC0  }
0xb1: {  	_ =	task [dreg:s8], $0x5FFFF  }
0xb2: {  	[dreg:$0x1] =	wrdreg $0xFFFFFFFF  }
0xb3: {  	[dreg:$0x0] =	wrdreg $0x60  }
0xb4: {  	[dreg:$0x2] =	wrdreg s15  }
0xb5: {  	[dreg:$0x3] =	wrdreg s16  }
0xb6: {  	[dreg:$0x4] =	wrdreg s24  }
0xb7: {  	[dreg:$0x5] =	wrdreg $0x9  }
0xb8: {  	_ =	task.clear_ibuf [dreg:s8], $0x6FFFF;
	_ =	strace $0x90000046  }
0xb9: {  	s29 =	simm.s32 $0x9;
	_ =	strace $0x80000048  }
0xba: {  	_ =	swait.ge [sflag:s29], $0x1  }
0xbb: {  	[sflag:s29] =	ssyncadd.s32 $0xFFFFFFFF  }
0xbc: {  	_ =	strace $0x90000048  }
0xbd: {  	_ =	sfence  }
0xbe: {  	s30 =	sld [smem:$0x0];
	_ =	sdelay $0x2  }
0xbf: {  	s31 =	sshll.u32 s1, $0xD;
	s1 =	sshrl.u32 s1, $0x2  }
0xc0: {  	s3 =	sand.u32 $0x4000, s31;
	s1 =	sadd.s32 s1, s30  }
0xc1: {  	s0 =	sor.u32 s3, s0;
	s1 =	sshll.u32 s1, $0x11  }
0xc2: {  	s0 =	sor.u32 s1, s0  }
0xc3: {  	s0 =	sadd.s32 $0x8F2B, s0  }
0xc4: {  	[sflag:s0] =	ssyncadd.remote.s32 $0x1  }
0xc5: {  	_ =	sfence.sel $0xFFFF  }
0xc6: {  	[dreg:$0x0] =	wrdreg $0xFFFFFFFF;
	(pc) =	sbr.abs _section_cstart, $3  }
0xc7: {  	[dreg:$0x1] =	wrdreg $0xFFFFFFFF  }
0xc8: {  	_ =	task.clear_ibuf [dreg:s8], $0x2FFFF;
	_ =	strace $0x9FFFFFFF  }
0xc9: {  	(tm) =	ssettm $0x7FFFFFFF  }
tec
execute0_lowered:
.L_overlay_start_1:
0x0: {  	(tag) =	ssettag $0x1  }
0x1: {  	s3 =	rddreg [dreg:$0x0]  }
0x2: {  	s4 =	rddreg [dreg:$0x1]  }
0x3: {  	s0 =	rddreg [dreg:$0x2];
	s2 =	simm.s32 $0x0  }
0x4: {  	[smem:$0x7FF] =	sst s2;
	s6 =	sadd.s32 $0x2000, s0  }
0x5: {  	s21 =	simm.s32 $0x80;
	_ =	strace $0x80000047;
	[dreg:$0x4] =	wrdreg s6  }
0x6: {  	s22 =	simm.s32 $0x180;
	[dreg:$0x9] =	wrdreg s21  }
0x7: {  	s23 =	simm.s32 $0xA00;
	[dreg:$0xa] =	wrdreg s22  }
0x8: {  	s24 =	simm.s32 $0x1200;
	[dreg:$0xb] =	wrdreg s23  }
0x9: {  	s25 =	simm.s32 $0x1A00;
	[dreg:$0xc] =	wrdreg s24  }
0xa: {  	s1 =	stileid.u32;
	s26 =	simm.s32 $0x2200;
	[dreg:$0xd] =	wrdreg s25  }
0xb: {  	s7 =	sshll.u32 s1, $0x5;
	s1 =	simm.s32 $0x2A00;
	[dreg:$0xe] =	wrdreg s26  }
0xc: {  	s9 =	simm.s32 $0x5200;
	[dreg:$0xf] =	wrdreg s1  }
0xd: {  	s10 =	simm.s32 $0x5A00;
	[dreg:$0x14] =	wrdreg s9  }
0xe: {  	s5 =	srdreg.scid;
	s11 =	simm.s32 $0x6200;
	[dreg:$0x15] =	wrdreg s10  }
0xf: {  	s12 =	simm.s32 $0x6A00;
	s13 =	simm.s32 $0x7200;
	[dreg:$0x16] =	wrdreg s11  }
0x10: {  	s14 =	simm.s32 $0x7A00;
	s15 =	simm.s32 $0x8200;
	[dreg:$0x17] =	wrdreg s12  }
0x11: {  	s16 =	simm.s32 $0x8A00;
	s17 =	simm.s32 $0x9200;
	[dreg:$0x18] =	wrdreg s13  }
0x12: {  	s28 =	simm.s32 $0x16200;
	s29 =	simm.s32 $0x16A00;
	[dreg:$0x19] =	wrdreg s14  }
0x13: {  	s30 =	simm.s32 $0x17200;
	s5 =	sand.u32 $0x1, s5;
	[dreg:$0x1a] =	wrdreg s15  }
0x14: {  	s31 =	simm.s32 $0x17A00;
	s8 =	sshll.u32 s5, $0x4;
	[dreg:$0x1b] =	wrdreg s16  }
0x15: {  	s5 =	ssub.s32 $0x2, s5;
	[dreg:$0x1c] =	wrdreg s17;
	s21 =	simm.s32 $0xAA00  }
0x16: {  	s22 =	simm.s32 $0xB200;
	s23 =	simm.s32 $0xBA00;
	s24 =	simm.s32 $0xC200  }
0x17: {  	s25 =	simm.s32 $0xCA00;
	s26 =	simm.s32 $0xD200;
	[dreg:$0x1f] =	wrdreg s21  }
0x18: {  	s9 =	simm.s32 $0x200;
	s11 =	simm.s32 $0xE200;
	[smem:$0x7F9] =	sst s22  }
0x19: {  	s12 =	simm.s32 $0xEA00;
	s13 =	simm.s32 $0xF200;
	[smem:$0x7FA] =	sst s23  }
0x1a: {  	s14 =	simm.s32 $0xFA00;
	s15 =	simm.s32 $0x10200;
	[smem:$0x7FB] =	sst s24  }
0x1b: {  	s16 =	simm.s32 $0x10A00;
	s17 =	simm.s32 $0x11200;
	[smem:$0x7FC] =	sst s25  }
0x1c: {  	s18 =	sor.u32 s8, s7;
	s8 =	simm.s32 $0x4A00;
	[smem:$0x7FD] =	sst s26  }
0x1d: {  	s21 =	simm.s32 $0x13200;
	s22 =	simm.s32 $0x13A00;
	s23 =	simm.s32 $0x14200  }
0x1e: {  	s24 =	simm.s32 $0x14A00;
	s25 =	simm.s32 $0x15200;
	s26 =	simm.s32 $0x15A00  }
0x1f: {  	s7 =	sadd.s32 s18, s0;
	s4 =	sadd.s32 s4, s18;
	[dreg:$0x13] =	wrdreg s8  }
0x20: {  	s6 =	smul.u32 $0x300, s18;
	s18 =	simm.s32 $0x9A00;
	[dreg:$0x5] =	wrdreg s4  }
0x21: {  	s8 =	simm.s32 $0x100;
	s19 =	sadd.s32 $0x1E00, s7;
	[dreg:$0x1d] =	wrdreg s18  }
0x22: {  	s20 =	sadd.s32 $0x122200, s7;
	s4 =	simm.s32 $0x3200;
	[dreg:$0x6] =	wrdreg s19  }
0x23: {  	s7 =	simm.s32 $0x4200;
	s18 =	simm.s32 $0x11A00;
	[dreg:$0x8] =	wrdreg s20  }
0x24: {  	s3 =	sadd.s32 s3, s6;
	[dreg:$0x10] =	wrdreg s4;
	s6 =	simm.s32 $0x3A00  }
0x25: {  	[dreg:$0x12] =	wrdreg s7;
	s19 =	sshrl.u32 s5, $0x1;
	s20 =	simm.s32 $0xA200  }
0x26: {  	s4 =	sadd.s32 $0x2300, s0;
	s7 =	simm.s32 $0x2;
	[dreg:$0x7] =	wrdreg s3  }
0x27: {  	v2 =	vlaneseq.u32;
	[dreg:$0x11] =	wrdreg s6;
	s3 =	sadd.s32 $0x2200, s0;
	s6 =	ssub.s32 s5, s19  }
0x28: {  	vm0 =	vmmov $0xffff;
	v1 =	vshrl.u32 v2, $0x3;
	[dreg:$0x1e] =	wrdreg s20;
	s5 =	sadd.s32 $0x2400, s0;
	s19 =	simm.s32 $0x12200  }
0x29: {  	v0 =	vand.u32 $0x7, v2;
	v2 =	vor.u32 $0x8, v2;
	v1 =	vmul.u32 $0x8, v1;
	s20 =	simm.s32 $0x12A00;
	s0 =	simm.s32 $0x1;
	s6 =	smax.u32 s6, $0x1  }
.LBB2_1:
0x2a: {  	s1 =	rddreg [dreg:$0x5]  }
0x2b: {  	[tilespmem:s2], [sflag:$0x2] =	stream.linear.gather [hbm4b:s1+s2], $0x80, $0x38;
	[tilespmem:$0x18200] =	vst v63  }
0x2c: {  	_ =	swait.ge [sflag:s7], $0x80  }
0x2d: {  	s1 =	rddreg [dreg:$0x6];
	[sflag:s7] =	ssyncset.done $0x0  }
0x2e: {  	s10 =	rddreg [dreg:$0x9];
	[sflag:s7] =	ssyncadd.s32 $0xFFFFFF80  }
0x2f: {  	[tilespmem:s10], [sflag:$0x2] =	stream.linear.gather [hbm4b:s1+s2], $0x80, $0x38;
	[tilespmem:$0x18200] =	vst v63  }
0x30: {  	_ =	swait.ge [sflag:s7], $0x80  }
0x31: {  	[sflag:s7] =	ssyncset.done $0x0  }
0x32: {  	s10 =	rddreg [dreg:$0x4];
	[sflag:s7] =	ssyncadd.s32 $0xFFFFFF80  }
0x33: {  	[tilespmem:s8], [sflag:$0x2] =	stream.linear.gather [hbm4b:s10+s2], $0x80, $0x38;
	[tilespmem:$0x18200] =	vst v63  }
0x34: {  	_ =	swait.ge [sflag:s7], $0x80  }
0x35: {  	[sflag:s7] =	ssyncset.done $0x0  }
0x36: {  	s10 =	rddreg [dreg:$0x7];
	[sflag:s7] =	ssyncadd.s32 $0xFFFFFF80  }
0x37: {  	[tilespmem:s9], [sflag:$0x2] =	stream.linear.gather [hbm4b:s10+s2], $0x18000, $0x38;
	[tilespmem:$0x18200] =	vst v63  }
0x38: {  	_ =	swait.ge [sflag:s7], $0x18000  }
0x39: {  	[sflag:s7] =	ssyncset.done $0x0  }
0x3a: {  	[sflag:s7] =	ssyncadd.s32 $0xFFFE8000  }
0x3b: {  	v3 =	vld [tilespmem:$0x0];
	_ =	sdelay $0x5  }
0x3c: {  	v4 =	vld [tilespmem:$0x10]  }
0x3d: {  	v5 =	vld [tilespmem:$0x80]  }
0x3e: {  	v3 =	vld.idx.msk [tilespmem:v3+s8+$0x0], $0xffff;
	_ =	sdelay $0x4  }
0x3f: {  	v43 =	vld [tilespmem:$0x20];
	v3 =	vadd.s32 v3, v5  }
0x40: {  	v44 =	vld [tilespmem:$0x90];
	[tilespmem:$0x180] =	vst v3  }
0x41: {  	v3 =	vld.idx.msk [tilespmem:v4+s8+$0x0], $0xffff;
	_ =	sdelay $0x4  }
0x42: {  	v45 =	vld [tilespmem:$0x30];
	v3 =	vadd.s32 v3, v44  }
0x43: {  	v46 =	vld [tilespmem:$0xA0];
	[tilespmem:$0x190] =	vst v3  }
0x44: {  	v3 =	vld.idx.msk [tilespmem:v43+s8+$0x0], $0xffff;
	_ =	sdelay $0x4  }
0x45: {  	v47 =	vld [tilespmem:$0x40];
	v3 =	vadd.s32 v3, v46  }
0x46: {  	v48 =	vld [tilespmem:$0xB0];
	[tilespmem:$0x1A0] =	vst v3  }
0x47: {  	v3 =	vld.idx.msk [tilespmem:v45+s8+$0x0], $0xffff;
	_ =	sdelay $0x4  }
0x48: {  	v49 =	vld [tilespmem:$0x50];
	v3 =	vadd.s32 v3, v48  }
0x49: {  	v50 =	vld [tilespmem:$0xC0];
	[tilespmem:$0x1B0] =	vst v3  }
0x4a: {  	v3 =	vld.idx.msk [tilespmem:v47+s8+$0x0], $0xffff;
	_ =	sdelay $0x4  }
0x4b: {  	v51 =	vld [tilespmem:$0x60];
	v3 =	vadd.s32 v3, v50  }
0x4c: {  	v52 =	vld [tilespmem:$0xD0];
	[tilespmem:$0x1C0] =	vst v3  }
0x4d: {  	v3 =	vld.idx.msk [tilespmem:v49+s8+$0x0], $0xffff;
	_ =	sdelay $0x4  }
0x4e: {  	v53 =	vld [tilespmem:$0x70];
	v3 =	vadd.s32 v3, v52  }
0x4f: {  	v54 =	vld [tilespmem:$0xE0];
	[tilespmem:$0x1D0] =	vst v3  }
0x50: {  	v3 =	vld.idx.msk [tilespmem:v51+s8+$0x0], $0xffff;
	_ =	sdelay $0x4  }
0x51: {  	v3 =	vadd.s32 v3, v54  }
0x52: {  	v55 =	vld [tilespmem:$0xF0];
	[tilespmem:$0x1E0] =	vst v3  }
0x53: {  	v3 =	vld.idx.msk [tilespmem:v53+s8+$0x0], $0xffff;
	_ =	sdelay $0x4  }
0x54: {  	s1 =	rddreg [dreg:$0x8];
	v3 =	vadd.s32 v3, v55  }
0x55: {  	s10 =	rddreg [dreg:$0xa];
	[tilespmem:$0x1F0] =	vst v3  }
0x56: {  	[hbm4b:s1+s2] =	stream.linear.scatter [tilespmem:s10], [sflag:$0x2], $0x80, $0x38;
	[tilespmem:$0x18200] =	vst v63  }
0x57: {  	_ =	swait.ge [sflag:s7], $0x80  }
0x58: {  	[sflag:s7] =	ssyncset.done $0x0  }
0x59: {  	[sflag:s7] =	ssyncadd.s32 $0xFFFFFF80  }
0x5a: {  	v3 =	vld [tilespmem:$0x180];
	_ =	sdelay $0x4  }
0x5b: {  	v56 =	vshrl.u32 v3, $0x3  }
0x5c: {  	v4 =	vmul.u32 $0x30, v56  }
0x5d: {  	v3 =	vand.u32 $0x7, v3  }
0x5e: {  	v3 =	vor.u32 v3, v4  }
0x5f: {  	v4 =	vperm.xlane v3, v0;
	_ =	sdelay $0x1  }
0x60: {  	v4 =	vadd.s32 v1, v4;
	_ =	sdelay $0x3  }
0x61: {  	v3 =	vperm.xlane v3, v2  }
0x62: {  	[hbm4b:s3+s2] =	stream.indirect_vreg.scatter [tilespmem:s9], [sflag:$0x1], $0x80, v4, vm0, $0xb8;
	[tilespmem:$0x18200] =	vst v63  }
0x63: {  	s1 =	rddreg [dreg:$0xb];
	v3 =	vadd.s32 v1, v3  }
0x64: {  	[hbm4b:s4+s2] =	stream.indirect_vreg.scatter [tilespmem:s1], [sflag:$0x1], $0x80, v4, vm0, $0xb8;
	[tilespmem:$0x18200] =	vst v63  }
0x65: {  	s10 =	rddreg [dreg:$0xc]  }
0x66: {  	[hbm4b:s5+s2] =	stream.indirect_vreg.scatter [tilespmem:s10], [sflag:$0x1], $0x80, v4, vm0, $0xb8;
	[tilespmem:$0x18200] =	vst v63  }
0x67: {  	s1 =	rddreg [dreg:$0xd]  }
0x68: {  	[hbm4b:s3+s2] =	stream.indirect_vreg.scatter [tilespmem:s1], [sflag:$0x1], $0x80, v3, vm0, $0xb8;
	[tilespmem:$0x18200] =	vst v63  }
0x69: {  	s10 =	rddreg [dreg:$0xe]  }
0x6a: {  	[hbm4b:s4+s2] =	stream.indirect_vreg.scatter [tilespmem:s10], [sflag:$0x1], $0x80, v3, vm0, $0xb8;
	[tilespmem:$0x18200] =	vst v63  }
0x6b: {  	s1 =	rddreg [dreg:$0xf]  }
0x6c: {  	[hbm4b:s5+s2] =	stream.indirect_vreg.scatter [tilespmem:s1], [sflag:$0x1], $0x80, v3, vm0, $0xb8;
	[tilespmem:$0x18200] =	vst v63  }
0x6d: {  	v3 =	vld [tilespmem:$0x190];
	_ =	sdelay $0x4  }
0x6e: {  	v57 =	vshrl.u32 v3, $0x3  }
0x6f: {  	v4 =	vmul.u32 $0x30, v57  }
0x70: {  	v3 =	vand.u32 $0x7, v3  }
0x71: {  	v3 =	vor.u32 v3, v4  }
0x72: {  	v4 =	vperm.xlane v3, v0;
	_ =	sdelay $0x1  }
0x73: {  	v4 =	vadd.s32 v1, v4;
	_ =	sdelay $0x3  }
0x74: {  	s1 =	rddreg [dreg:$0x10];
	v3 =	vperm.xlane v3, v2  }
0x75: {  	[hbm4b:s3+s2] =	stream.indirect_vreg.scatter [tilespmem:s1], [sflag:$0x1], $0x80, v4, vm0, $0xb8;
	[tilespmem:$0x18200] =	vst v63  }
0x76: {  	s10 =	rddreg [dreg:$0x11];
	v3 =	vadd.s32 v1, v3  }
0x77: {  	[hbm4b:s4+s2] =	stream.indirect_vreg.scatter [tilespmem:s10], [sflag:$0x1], $0x80, v4, vm0, $0xb8;
	[tilespmem:$0x18200] =	vst v63  }
0x78: {  	s1 =	rddreg [dreg:$0x12]  }
0x79: {  	[hbm4b:s5+s2] =	stream.indirect_vreg.scatter [tilespmem:s1], [sflag:$0x1], $0x80, v4, vm0, $0xb8;
	[tilespmem:$0x18200] =	vst v63  }
0x7a: {  	s10 =	rddreg [dreg:$0x13]  }
0x7b: {  	[hbm4b:s3+s2] =	stream.indirect_vreg.scatter [tilespmem:s10], [sflag:$0x1], $0x80, v3, vm0, $0xb8;
	[tilespmem:$0x18200] =	vst v63  }
0x7c: {  	s1 =	rddreg [dreg:$0x14]  }
0x7d: {  	[hbm4b:s4+s2] =	stream.indirect_vreg.scatter [tilespmem:s1], [sflag:$0x1], $0x80, v3, vm0, $0xb8;
	[tilespmem:$0x18200] =	vst v63  }
0x7e: {  	s10 =	rddreg [dreg:$0x15]  }
0x7f: {  	[hbm4b:s5+s2] =	stream.indirect_vreg.scatter [tilespmem:s10], [sflag:$0x1], $0x80, v3, vm0, $0xb8;
	[tilespmem:$0x18200] =	vst v63  }
0x80: {  	v3 =	vld [tilespmem:$0x1A0];
	_ =	sdelay $0x4  }
0x81: {  	v58 =	vshrl.u32 v3, $0x3  }
0x82: {  	v4 =	vmul.u32 $0x30, v58  }
0x83: {  	v3 =	vand.u32 $0x7, v3  }
0x84: {  	v3 =	vor.u32 v3, v4  }
0x85: {  	v4 =	vperm.xlane v3, v0;
	_ =	sdelay $0x1  }
0x86: {  	v4 =	vadd.s32 v1, v4;
	_ =	sdelay $0x3  }
0x87: {  	s1 =	rddreg [dreg:$0x16];
	v3 =	vperm.xlane v3, v2  }
0x88: {  	[hbm4b:s3+s2] =	stream.indirect_vreg.scatter [tilespmem:s1], [sflag:$0x1], $0x80, v4, vm0, $0xb8;
	[tilespmem:$0x18200] =	vst v63  }
0x89: {  	s10 =	rddreg [dreg:$0x17];
	v3 =	vadd.s32 v1, v3  }
0x8a: {  	[hbm4b:s4+s2] =	stream.indirect_vreg.scatter [tilespmem:s10], [sflag:$0x1], $0x80, v4, vm0, $0xb8;
	[tilespmem:$0x18200] =	vst v63  }
0x8b: {  	s1 =	rddreg [dreg:$0x18]  }
0x8c: {  	[hbm4b:s5+s2] =	stream.indirect_vreg.scatter [tilespmem:s1], [sflag:$0x1], $0x80, v4, vm0, $0xb8;
	[tilespmem:$0x18200] =	vst v63  }
0x8d: {  	s10 =	rddreg [dreg:$0x19]  }
0x8e: {  	[hbm4b:s3+s2] =	stream.indirect_vreg.scatter [tilespmem:s10], [sflag:$0x1], $0x80, v3, vm0, $0xb8;
	[tilespmem:$0x18200] =	vst v63  }
0x8f: {  	s1 =	rddreg [dreg:$0x1a]  }
0x90: {  	[hbm4b:s4+s2] =	stream.indirect_vreg.scatter [tilespmem:s1], [sflag:$0x1], $0x80, v3, vm0, $0xb8;
	[tilespmem:$0x18200] =	vst v63  }
0x91: {  	s10 =	rddreg [dreg:$0x1b]  }
0x92: {  	[hbm4b:s5+s2] =	stream.indirect_vreg.scatter [tilespmem:s10], [sflag:$0x1], $0x80, v3, vm0, $0xb8;
	[tilespmem:$0x18200] =	vst v63  }
0x93: {  	v3 =	vld [tilespmem:$0x1B0];
	_ =	sdelay $0x4  }
0x94: {  	v59 =	vshrl.u32 v3, $0x3  }
0x95: {  	v4 =	vmul.u32 $0x30, v59  }
0x96: {  	v3 =	vand.u32 $0x7, v3  }
0x97: {  	v3 =	vor.u32 v3, v4  }
0x98: {  	v4 =	vperm.xlane v3, v0;
	_ =	sdelay $0x1  }
0x99: {  	v4 =	vadd.s32 v1, v4;
	_ =	sdelay $0x2  }
0x9a: {  	s1 =	rddreg [dreg:$0x1c]  }
0x9b: {  	s10 =	rddreg [dreg:$0x1d];
	v3 =	vperm.xlane v3, v2  }
0x9c: {  	[hbm4b:s3+s2] =	stream.indirect_vreg.scatter [tilespmem:s1], [sflag:$0x1], $0x80, v4, vm0, $0xb8;
	[tilespmem:$0x18200] =	vst v63  }
0x9d: {  	v3 =	vadd.s32 v1, v3;
	s1 =	rddreg [dreg:$0x1e]  }
0x9e: {  	[hbm4b:s4+s2] =	stream.indirect_vreg.scatter [tilespmem:s10], [sflag:$0x1], $0x80, v4, vm0, $0xb8;
	[tilespmem:$0x18200] =	vst v63  }
0x9f: {  	s10 =	rddreg [dreg:$0x1f]  }
0xa0: {  	[hbm4b:s5+s2] =	stream.indirect_vreg.scatter [tilespmem:s1], [sflag:$0x1], $0x80, v4, vm0, $0xb8;
	[tilespmem:$0x18200] =	vst v63  }
0xa1: {  	s1 =	sld [smem:$0x7F9]  }
0xa2: {  	[hbm4b:s3+s2] =	stream.indirect_vreg.scatter [tilespmem:s10], [sflag:$0x1], $0x80, v3, vm0, $0xb8;
	[tilespmem:$0x18200] =	vst v63  }
0xa3: {  	s10 =	sld [smem:$0x7FA]  }
0xa4: {  	[hbm4b:s4+s2] =	stream.indirect_vreg.scatter [tilespmem:s1], [sflag:$0x1], $0x80, v3, vm0, $0xb8;
	[tilespmem:$0x18200] =	vst v63  }
0xa5: {  	_ = 	snop  }
0xa6: {  	[hbm4b:s5+s2] =	stream.indirect_vreg.scatter [tilespmem:s10], [sflag:$0x1], $0x80, v3, vm0, $0xb8;
	[tilespmem:$0x18200] =	vst v63  }
0xa7: {  	v3 =	vld [tilespmem:$0x1C0];
	_ =	sdelay $0x4  }
0xa8: {  	v60 =	vshrl.u32 v3, $0x3  }
0xa9: {  	v4 =	vmul.u32 $0x30, v60  }
0xaa: {  	v3 =	vand.u32 $0x7, v3  }
0xab: {  	v3 =	vor.u32 v3, v4  }
0xac: {  	v4 =	vperm.xlane v3, v0;
	_ =	sdelay $0x1  }
0xad: {  	v4 =	vadd.s32 v1, v4;
	_ =	sdelay $0x1  }
0xae: {  	s1 =	sld [smem:$0x7FB];
	_ =	sdelay $0x1  }
0xaf: {  	s10 =	sld [smem:$0x7FC];
	v3 =	vperm.xlane v3, v2  }
0xb0: {  	[hbm4b:s3+s2] =	stream.indirect_vreg.scatter [tilespmem:s1], [sflag:$0x1], $0x80, v4, vm0, $0xb8;
	[tilespmem:$0x18200] =	vst v63  }
0xb1: {  	v3 =	vadd.s32 v1, v3;
	s1 =	sld [smem:$0x7FD]  }
0xb2: {  	[hbm4b:s4+s2] =	stream.indirect_vreg.scatter [tilespmem:s10], [sflag:$0x1], $0x80, v4, vm0, $0xb8;
	[tilespmem:$0x18200] =	vst v63  }
0xb3: {  	_ = 	snop  }
0xb4: {  	[hbm4b:s5+s2] =	stream.indirect_vreg.scatter [tilespmem:s1], [sflag:$0x1], $0x80, v4, vm0, $0xb8;
	[tilespmem:$0x18200] =	vst v63  }
0xb5: {  	s10 =	simm.s32 $0xDA00  }
0xb6: {  	[hbm4b:s3+s2] =	stream.indirect_vreg.scatter [tilespmem:s10], [sflag:$0x1], $0x80, v3, vm0, $0xb8;
	[tilespmem:$0x18200] =	vst v63  }
0xb7: {  	_ = 	snop  }
0xb8: {  	[hbm4b:s4+s2] =	stream.indirect_vreg.scatter [tilespmem:s11], [sflag:$0x1], $0x80, v3, vm0, $0xb8;
	[tilespmem:$0x18200] =	vst v63  }
0xb9: {  	_ = 	snop  }
0xba: {  	[hbm4b:s5+s2] =	stream.indirect_vreg.scatter [tilespmem:s12], [sflag:$0x1], $0x80, v3, vm0, $0xb8;
	[tilespmem:$0x18200] =	vst v63  }
0xbb: {  	v3 =	vld [tilespmem:$0x1D0];
	_ =	sdelay $0x4  }
0xbc: {  	v61 =	vshrl.u32 v3, $0x3  }
0xbd: {  	v4 =	vmul.u32 $0x30, v61  }
0xbe: {  	v3 =	vand.u32 $0x7, v3  }
0xbf: {  	v3 =	vor.u32 v3, v4  }
0xc0: {  	v4 =	vperm.xlane v3, v0;
	_ =	sdelay $0x1  }
0xc1: {  	v4 =	vadd.s32 v1, v4;
	_ =	sdelay $0x3  }
0xc2: {  	v3 =	vperm.xlane v3, v2  }
0xc3: {  	[hbm4b:s3+s2] =	stream.indirect_vreg.scatter [tilespmem:s13], [sflag:$0x1], $0x80, v4, vm0, $0xb8;
	[tilespmem:$0x18200] =	vst v63  }
0xc4: {  	v3 =	vadd.s32 v1, v3  }
0xc5: {  	[hbm4b:s4+s2] =	stream.indirect_vreg.scatter [tilespmem:s14], [sflag:$0x1], $0x80, v4, vm0, $0xb8;
	[tilespmem:$0x18200] =	vst v63  }
0xc6: {  	_ = 	snop  }
0xc7: {  	[hbm4b:s5+s2] =	stream.indirect_vreg.scatter [tilespmem:s15], [sflag:$0x1], $0x80, v4, vm0, $0xb8;
	[tilespmem:$0x18200] =	vst v63  }
0xc8: {  	_ = 	snop  }
0xc9: {  	[hbm4b:s3+s2] =	stream.indirect_vreg.scatter [tilespmem:s16], [sflag:$0x1], $0x80, v3, vm0, $0xb8;
	[tilespmem:$0x18200] =	vst v63  }
0xca: {  	_ = 	snop  }
0xcb: {  	[hbm4b:s4+s2] =	stream.indirect_vreg.scatter [tilespmem:s17], [sflag:$0x1], $0x80, v3, vm0, $0xb8;
	[tilespmem:$0x18200] =	vst v63  }
0xcc: {  	_ = 	snop  }
0xcd: {  	[hbm4b:s5+s2] =	stream.indirect_vreg.scatter [tilespmem:s18], [sflag:$0x1], $0x80, v3, vm0, $0xb8;
	[tilespmem:$0x18200] =	vst v63  }
0xce: {  	v3 =	vld [tilespmem:$0x1E0];
	_ =	sdelay $0x4  }
0xcf: {  	v62 =	vshrl.u32 v3, $0x3  }
0xd0: {  	v4 =	vmul.u32 $0x30, v62  }
0xd1: {  	v3 =	vand.u32 $0x7, v3  }
0xd2: {  	v3 =	vor.u32 v3, v4  }
0xd3: {  	v4 =	vperm.xlane v3, v0;
	_ =	sdelay $0x1  }
0xd4: {  	v4 =	vadd.s32 v1, v4;
	_ =	sdelay $0x3  }
0xd5: {  	v3 =	vperm.xlane v3, v2  }
0xd6: {  	[hbm4b:s3+s2] =	stream.indirect_vreg.scatter [tilespmem:s19], [sflag:$0x1], $0x80, v4, vm0, $0xb8;
	[tilespmem:$0x18200] =	vst v63  }
0xd7: {  	v3 =	vadd.s32 v1, v3  }
0xd8: {  	[hbm4b:s4+s2] =	stream.indirect_vreg.scatter [tilespmem:s20], [sflag:$0x1], $0x80, v4, vm0, $0xb8;
	[tilespmem:$0x18200] =	vst v63  }
0xd9: {  	_ = 	snop  }
0xda: {  	[hbm4b:s5+s2] =	stream.indirect_vreg.scatter [tilespmem:s21], [sflag:$0x1], $0x80, v4, vm0, $0xb8;
	[tilespmem:$0x18200] =	vst v63  }
0xdb: {  	_ = 	snop  }
0xdc: {  	[hbm4b:s3+s2] =	stream.indirect_vreg.scatter [tilespmem:s22], [sflag:$0x1], $0x80, v3, vm0, $0xb8;
	[tilespmem:$0x18200] =	vst v63  }
0xdd: {  	_ = 	snop  }
0xde: {  	[hbm4b:s4+s2] =	stream.indirect_vreg.scatter [tilespmem:s23], [sflag:$0x1], $0x80, v3, vm0, $0xb8;
	[tilespmem:$0x18200] =	vst v63  }
0xdf: {  	_ = 	snop  }
0xe0: {  	[hbm4b:s5+s2] =	stream.indirect_vreg.scatter [tilespmem:s24], [sflag:$0x1], $0x80, v3, vm0, $0xb8;
	[tilespmem:$0x18200] =	vst v63  }
0xe1: {  	v3 =	vld [tilespmem:$0x1F0];
	_ =	sdelay $0x4  }
0xe2: {  	v63 =	vshrl.u32 v3, $0x3  }
0xe3: {  	v4 =	vmul.u32 $0x30, v63  }
0xe4: {  	v3 =	vand.u32 $0x7, v3  }
0xe5: {  	v3 =	vor.u32 v3, v4  }
0xe6: {  	v4 =	vperm.xlane v3, v0;
	_ =	sdelay $0x1  }
0xe7: {  	v4 =	vadd.s32 v1, v4;
	_ =	sdelay $0x3  }
0xe8: {  	v3 =	vperm.xlane v3, v2  }
0xe9: {  	[hbm4b:s3+s2] =	stream.indirect_vreg.scatter [tilespmem:s25], [sflag:$0x1], $0x80, v4, vm0, $0xb8;
	[tilespmem:$0x18200] =	vst v63  }
0xea: {  	v3 =	vadd.s32 v1, v3  }
0xeb: {  	[hbm4b:s4+s2] =	stream.indirect_vreg.scatter [tilespmem:s26], [sflag:$0x1], $0x80, v4, vm0, $0xb8;
	[tilespmem:$0x18200] =	vst v63  }
0xec: {  	_ = 	snop  }
0xed: {  	[hbm4b:s5+s2] =	stream.indirect_vreg.scatter [tilespmem:s28], [sflag:$0x1], $0x80, v4, vm0, $0xb8;
	[tilespmem:$0x18200] =	vst v63  }
0xee: {  	_ = 	snop  }
0xef: {  	[hbm4b:s3+s2] =	stream.indirect_vreg.scatter [tilespmem:s29], [sflag:$0x1], $0x80, v3, vm0, $0xb8;
	[tilespmem:$0x18200] =	vst v63  }
0xf0: {  	p0 =	sne.s32 s6, $0x1  }
0xf1: {  	[hbm4b:s4+s2] =	stream.indirect_vreg.scatter [tilespmem:s30], [sflag:$0x1], $0x80, v3, vm0, $0xb8;
	[tilespmem:$0x18200] =	vst v63  }
.Ltmp0:
0xf2: {  	_ = 	snop;
	(pc) =	sbr.rel @p0 .LBB2_1-.Ltmp0, $4  }
0xf3: {  	[hbm4b:s5+s2] =	stream.indirect_vreg.scatter [tilespmem:s31], [sflag:$0x1], $0x80, v3, vm0, $0xb8;
	[tilespmem:$0x18200] =	vst v63  }
0xf4: {  	_ =	swait.ge [sflag:s0], $0x18000  }
0xf5: {  	[sflag:s0] =	ssyncset.done $0x0  }
0xf6: {  	s6 =	sadd.s32 $0xFFFFFFFF, s6;
	[sflag:s0] =	ssyncadd.s32 $0xFFFE8000  }
0xf7: {  	_ =	sfence.sel $0x180000  }
0xf8: {  	[bflag:$0x0] =	sbarrier.arrive $0xFFFF  }
0xf9: {  	_ =	strace $0x90000047  }
0xfa: {  	s0 =	stileid.u32;
	[bflag:$0x2] =	sbarrier.arrive $0xFFFF  }
0xfb: {  	p0 =	sne.s32 s0, $0x0;
	s0 =	rddreg [dreg:$0x3]  }
0xfc: {  	s0 =	sadd.s32 @!p0 $0x100000, s0  }
0xfd: {  	[sflag:s0] =	ssyncadd.tile.s32 @!p0 $0x1;
	_ =	shalt  }
.Lfunc_end2:
_tile_overlayer_lowered:
.L_overlay_start_2:
0xfe: {  	(tag) =	ssettag $0x2  }
0xff: {  	s0 =	rddreg [dreg:$0x0];
	s2 =	stileid.u32  }
0x100: {  	s1 =	rddreg [dreg:$0x1];
	p0 =	sne.s32 s2, $0x0  }
0x101: {  	s3 =	rddreg [dreg:$0x2];
	[bflag:$0x3] =	sbarrier.arrive $0xFFFF;
	s2 =	simm.s32 @!p0 $0x1C02  }
0x102: {  	[timem:s3], [sflag:s2] =	dma.local @!p0 [hbm:s0], s1  }
0x103: {  	s0 =	simm.s32 @!p0 $0x2  }
0x104: {  	_ =	swait.ge @!p0 [sflag:s0], s1  }
0x105: {  	s1 =	ssub.s32 @!p0 $0x0, s1;
	[sflag:s0] =	ssyncset.done @!p0 $0x0  }
0x106: {  	[sflag:s0] =	ssyncadd.s32 @!p0 s1  }
0x107: {  	[bflag:$0x3] =	sbarrier.arrive $0xFFFF  }
0x108: {  	_ =	shalt  }

// kernel: kernel.9.cloned.1.call-start
scs
__scs_entry_jumppad:
0x0: {  	(pc) =	sbr.rel $0x88, $3  }
0x1: {  	(tag) =	ssettag $0x0;
	lr =	simm.s32 $0x1  }
0x2: {  	[smem:$0x3F9A] =	sst lr;
	_ =	strace $0xD0000000  }
0x3: {  	_ = 	snop  }
0x4: {  	_ = 	snop  }
0x5: {  	_ = 	snop  }
0x6: {  	_ = 	snop  }
0x7: {  	_ = 	snop  }
__scs_overlays_trampoline_lowered:
0x8: {  	[smem:$0x3FA9] =	sst s0  }
0x9: {  	[smem:$0x3FAA] =	sst s1  }
0xa: {  	[smem:$0x3FAB] =	sst s2  }
0xb: {  	[smem:$0x3FAC] =	sst s3  }
0xc: {  	[smem:$0x3FAD] =	sst s4  }
0xd: {  	[smem:$0x3FAE] =	sst s5  }
0xe: {  	[smem:$0x3FAF] =	sst s6  }
0xf: {  	[smem:$0x3FB0] =	sst s7  }
0x10: {  	[smem:$0x3FB1] =	sst s8  }
0x11: {  	[smem:$0x3FB2] =	sst s9;
	s0 =	simm.s32 @!p0 $0x0  }
0x12: {  	s1 =	sld [smem:$0x3F98];
	s0 =	simm.s32 @p0 $0x1  }
0x13: {  	[smem:$0x3FB3] =	sst s0;
	s0 =	simm.s32 @!p1 $0x0  }
0x14: {  	s2 =	sld [smem:$0x3F97];
	s0 =	simm.s32 @p1 $0x1  }
0x15: {  	[smem:$0x3FB4] =	sst s0;
	s0 =	simm.s32 @!p2 $0x0  }
0x16: {  	s3 =	sld [smem:$0x3FDB];
	s0 =	simm.s32 @p2 $0x1  }
0x17: {  	s4 =	simm.s32 $0x1BF5;
	[smem:$0x3FB6] =	sst s0  }
0x18: {  	s0 =	sld [smem:$0x3F99];
	_ =	swait.ge [sflag:s4], $0x0  }
0x19: {  	s7 =	sld [smem:$0x3F9A]  }
0x1a: {  	s8 =	sadd.s32 $0xFFFFE003, lr  }
0x1b: {  	s9 =	sadd.s32 $0xFFFFFEF7, lr;
	s5 =	simm.s32 $0xFFFFFFFF;
	p2 =	slt.u32 s8, $0xFFFFF086  }
0x1c: {  	p1 =	slt.u32 s9, $0xF7A;
	s5 =	simm.s32 @!p2 $0x0  }
0x1d: {  	s5 =	simm.s32 @p1 $0x1;
	p0 =	seq.s32 s7, s2  }
0x1e: {  	s7 =	smul.u32 @!p0 $0xF7A, s2;
	p2 =	seq.s32 @!p0 s5, $0x0  }
0x1f: {  	s9 =	smul.u32 $0xF7A, s1;
	s8 =	simm.s32 @!p0 $0x1BF5;
	p2 =	por !p2, p0  }
0x20: {  	[sflag:s8] =	ssyncset.s32 @!p0 $0xFFFFF086;
	s6 =	sadd.s32 @!p0 s3, s7;
	s7 =	simm.s32 @!p0 $0x108  }
0x21: {  	s3 =	sadd.s32 s3, s9;
	s6 =	sadd.s32 @!p0 $0x88, s6;
	s7 =	simm.s32 @p2 $0x1082  }
0x22: {  	[simem:s7], [sflag:s8] =	dma.local @!p0 [hbm:s6], $0xF7A  }
0x23: {  	s9 =	sor.u32 $0xD0000000, s2;
	s6 =	simm.s32 $0x108;
	_ =	swait.ge @!p0 [sflag:s8], $0x0  }
0x24: {  	s3 =	sadd.s32 $0x88, s3;
	s6 =	simm.s32 @!p1 $0x1082;
	[sflag:s4] =	ssyncset.s32 $0xFFFFF086  }
0x25: {  	[simem:s6], [sflag:s4] =	dma.local [hbm:s3], $0xF7A  }
0x26: {  	[smem:$0x3F9A] =	sst s1;
	(tag) =	ssettag s2;
	_ =	strace s9  }
0x27: {  	s1 =	sld [smem:$0x3FAA]  }
0x28: {  	s2 =	sld [smem:$0x3FAB]  }
0x29: {  	s4 =	sld [smem:$0x3FAD]  }
0x2a: {  	p0 =	seq.s32 s5, $0x0;
	s5 =	sld [smem:$0x3FAE]  }
0x2b: {  	s6 =	sld [smem:$0x3FAF]  }
0x2c: {  	s7 =	sld [smem:$0x3FB0]  }
0x2d: {  	s3 =	simm.s32 $0x108;
	s8 =	sld [smem:$0x3FB1]  }
0x2e: {  	s3 =	simm.s32 @!p0 $0x1082;
	s9 =	sld [smem:$0x3FB2]  }
0x2f: {  	lr =	sadd.s32 s0, s3;
	s0 =	sld [smem:$0x3FA9]  }
0x30: {  	s3 =	sld [smem:$0x3FAC]  }
0x31: {  	[smem:$0x3FB5] =	sst s10  }
0x32: {  	s10 =	sld [smem:$0x3FB3];
	_ =	sdelay $0x3  }
0x33: {  	p0 =	seq.s32 s10, $0x1;
	s10 =	sld [smem:$0x3FB5];
	_ =	sdelay $0x3  }
0x34: {  	[smem:$0x3FB5] =	sst s10  }
0x35: {  	s10 =	sld [smem:$0x3FB4];
	_ =	sdelay $0x3  }
0x36: {  	p1 =	seq.s32 s10, $0x1;
	s10 =	sld [smem:$0x3FB5];
	_ =	sdelay $0x3  }
0x37: {  	[smem:$0x3FB5] =	sst s10  }
0x38: {  	s10 =	sld [smem:$0x3FB6]  }
0x39: {  	_ = 	snop;
	(pc) =	sbr.ind lr, $3  }
0x3a: {  	_ = 	snop  }
0x3b: {  	_ = 	snop  }
0x3c: {  	p2 =	seq.s32 s10, $0x1;
	s10 =	sld [smem:$0x3FB5]  }
0x3d: {  	_ =	shalt  }
0x3e: {  	_ =	shalt  }
0x3f: {  	_ =	shalt  }
0x40: {  	_ =	shalt  }
0x41: {  	_ =	shalt  }
0x42: {  	_ =	shalt  }
0x43: {  	_ =	shalt  }
0x44: {  	_ =	shalt  }
0x45: {  	_ =	shalt  }
0x46: {  	_ =	shalt  }
0x47: {  	_ =	shalt  }
0x48: {  	_ =	shalt  }
0x49: {  	_ =	shalt  }
0x4a: {  	_ =	shalt  }
0x4b: {  	_ =	shalt  }
0x4c: {  	_ =	shalt  }
0x4d: {  	_ =	shalt  }
0x4e: {  	_ =	shalt  }
0x4f: {  	_ =	shalt  }
0x50: {  	_ =	shalt  }
0x51: {  	_ =	shalt  }
0x52: {  	_ =	shalt  }
0x53: {  	_ =	shalt  }
0x54: {  	_ =	shalt  }
0x55: {  	_ =	shalt  }
0x56: {  	_ =	shalt  }
0x57: {  	_ =	shalt  }
0x58: {  	_ =	shalt  }
0x59: {  	_ =	shalt  }
0x5a: {  	_ =	shalt  }
0x5b: {  	_ =	shalt  }
0x5c: {  	_ =	shalt  }
0x5d: {  	_ =	shalt  }
0x5e: {  	_ =	shalt  }
0x5f: {  	_ =	shalt  }
0x60: {  	_ =	shalt  }
0x61: {  	_ =	shalt  }
0x62: {  	_ =	shalt  }
0x63: {  	_ =	shalt  }
0x64: {  	_ =	shalt  }
0x65: {  	_ =	shalt  }
0x66: {  	_ =	shalt  }
0x67: {  	_ =	shalt  }
0x68: {  	_ =	shalt  }
0x69: {  	_ =	shalt  }
0x6a: {  	_ =	shalt  }
0x6b: {  	_ =	shalt  }
0x6c: {  	_ =	shalt  }
0x6d: {  	_ =	shalt  }
0x6e: {  	_ =	shalt  }
0x6f: {  	_ =	shalt  }
0x70: {  	_ =	shalt  }
0x71: {  	_ =	shalt  }
0x72: {  	_ =	shalt  }
0x73: {  	_ =	shalt  }
0x74: {  	_ =	shalt  }
0x75: {  	_ =	shalt  }
0x76: {  	_ =	shalt  }
0x77: {  	_ =	shalt  }
0x78: {  	_ =	shalt  }
0x79: {  	_ =	shalt  }
0x7a: {  	_ =	shalt  }
0x7b: {  	_ =	shalt  }
0x7c: {  	_ =	shalt  }
0x7d: {  	_ =	shalt  }
0x7e: {  	_ =	shalt  }
0x7f: {  	_ =	shalt  }
0x80: {  	_ =	shalt  }
0x81: {  	_ =	shalt  }
0x82: {  	_ =	shalt  }
0x83: {  	_ =	shalt  }
0x84: {  	_ =	shalt  }
0x85: {  	_ =	shalt  }
0x86: {  	_ =	shalt  }
0x87: {  	_ =	shalt  }
.Lfunc_end0:
.L_simem_size_0:
called_computation.1_lowered:
.L_overlay_start_0:
0x88: {  	s2 =	sld [smem:$0x3FD9]  }
0x89: {  	s3 =	sld [smem:$0x3FFE];
	_ =	sdelay $0x1  }
0x8a: {  	s1 =	srdreg.scid  }
0x8b: {  	s0 =	sand.u32 $0x1, s1  }
0x8c: {  	s14 =	sshll.u32 s0, $0xA;
	s2 =	sadd.s32 s3, s2  }
0x8d: {  	s2 =	sadd.s32 s2, s14  }
0x8e: {  	[smem:$0x3FC1] =	sst s2  }
0x8f: {  	_ = 	snop  }
0x90: {  	s2 =	sld [smem:$0x3FD0];
	_ =	sdelay $0x2  }
0x91: {  	s15 =	simm.s32 $0xA;
	s4 =	simm.s32 $0x10  }
0x92: {  	[smem:s4], [sflag:s15] =	dma.local [hbm:s2], $0x1  }
0x93: {  	_ =	swait.eq [sflag:s15], $0x1  }
0x94: {  	[sflag:s15] =	ssyncset.done $0x0  }
0x95: {  	[sflag:s15] =	ssyncadd.s32 $0xFFFFFFFF  }
0x96: {  	s16 =	sld [smem:$0x10];
	(tm) =	ssettm $0x1  }
0x97: {  	s17 =	sld [smem:$0x3FFB];
	_ =	sdelay $0x3  }
0x98: {  	_ =	strace s17  }
0x99: {  	s3 =	sld [smem:$0x3FFC];
	_ =	sdelay $0x3  }
0x9a: {  	_ =	strace s3  }
0x9b: {  	s3 =	sld [smem:$0x3FFD];
	_ =	sdelay $0x3  }
0x9c: {  	_ =	strace s3  }
0x9d: {  	_ =	strace $0x8FFFFFFF  }
0x9e: {  	s18 =	sld [smem:$0x3FDB];
	_ =	sdelay $0x1  }
0x9f: {  	s19 =	simm.s32 $_scs_section_size  }
0xa0: {  	s5 =	simm.s32 $_size__tile_overlayer_lowered;
	s6 =	simm.s32 $_tile_overlayer_lowered  }
0xa1: {  	s22 =	simm.s32 $0x1BFF;
	s21 =	sshll.u32 s6, $0x1;
	s3 =	sadd.s32 s19, s18  }
0xa2: {  	s7 =	simm.s32 $0x0;
	s20 =	sshll.u32 s5, $0x1;
	s5 =	sadd.s32 s21, s3  }
0xa3: {  	[timem:s7], [sflag:s22] =	dma.local [hbm:s5], s20  }
0xa4: {  	_ =	swait.ge [sflag:s22], s20  }
0xa5: {  	s4 =	ssub.s32 $0x0, s20;
	[sflag:s22] =	ssyncset.done $0x0  }
0xa6: {  	[sflag:s22] =	ssyncadd.s32 s4;
	_ =	sdelay $0x1  }
0xa7: {  	s23 =	simm.s32 $0x1B8B  }
0xa8: {  	_ =	swait.ge [sflag:s23], $0x1  }
0xa9: {  	[sflag:s23] =	ssyncset.done $0x0  }
0xaa: {  	s25 =	simm.s32 $0x1B8E;
	s24 =	sld [smem:$0x3FFE];
	[sflag:s23] =	ssyncadd.s32 $0xFFFFFFFF  }
0xab: {  	s26 =	simm.s32 $execute0_lowered;
	[smem:$0x3FD2] =	sst s25  }
0xac: {  	s5 =	sshll.u32 s26, $0x1;
	_ =	strace $0x80000049;
	[dreg:$0x1] =	wrdreg $0xFFFFFFFF  }
0xad: {  	s28 =	simm.s32 $_size_execute0_lowered;
	s3 =	sadd.s32 s3, s5;
	[dreg:$0x0] =	wrdreg $0x0  }
0xae: {  	s5 =	sshll.u32 s28, $0x1;
	[dreg:$0x2] =	wrdreg s3  }
0xaf: {  	[dreg:$0x3] =	wrdreg s5  }
0xb0: {  	[dreg:$0x4] =	wrdreg $0xC0  }
0xb1: {  	_ =	task [dreg:s7], $0x5FFFF  }
0xb2: {  	[dreg:$0x1] =	wrdreg $0xFFFFFFFF  }
0xb3: {  	[dreg:$0x0] =	wrdreg $0x60  }
0xb4: {  	[dreg:$0x2] =	wrdreg s24  }
0xb5: {  	[dreg:$0x3] =	wrdreg s16  }
0xb6: {  	[dreg:$0x4] =	wrdreg $0x9  }
0xb7: {  	_ =	task.clear_ibuf [dreg:s7], $0x5FFFF;
	_ =	strace $0x90000049  }
0xb8: {  	s29 =	simm.s32 $0x9;
	_ =	strace $0x8000004B  }
0xb9: {  	_ =	swait.ge [sflag:s29], $0x1  }
0xba: {  	[sflag:s29] =	ssyncadd.s32 $0xFFFFFFFF  }
0xbb: {  	_ =	strace $0x9000004B  }
0xbc: {  	_ =	sfence  }
0xbd: {  	s30 =	sld [smem:$0x0];
	_ =	sdelay $0x2  }
0xbe: {  	s31 =	sshll.u32 s1, $0xD;
	s1 =	sshrl.u32 s1, $0x2  }
0xbf: {  	s3 =	sand.u32 $0x4000, s31;
	s1 =	sadd.s32 s1, s30  }
0xc0: {  	s0 =	sor.u32 s3, s0;
	s1 =	sshll.u32 s1, $0x11  }
0xc1: {  	s0 =	sor.u32 s1, s0  }
0xc2: {  	s0 =	sadd.s32 $0x8F2B, s0  }
0xc3: {  	[sflag:s0] =	ssyncadd.remote.s32 $0x1  }
0xc4: {  	_ =	sfence.sel $0xFFFF  }
0xc5: {  	[dreg:$0x0] =	wrdreg $0xFFFFFFFF;
	(pc) =	sbr.abs _section_cstart, $3  }
0xc6: {  	[dreg:$0x1] =	wrdreg $0xFFFFFFFF  }
0xc7: {  	_ =	task.clear_ibuf [dreg:s7], $0x2FFFF;
	_ =	strace $0x9FFFFFFF  }
0xc8: {  	(tm) =	ssettm $0x7FFFFFFF  }
0xc9: {  	_ =	shalt  }
tec
execute0_lowered:
.L_overlay_start_1:
0x0: {  	(tag) =	ssettag $0x1  }
0x1: {  	s2 =	srdreg.scid;
	s1 =	rddreg [dreg:$0x0]  }
0x2: {  	s3 =	rddreg [dreg:$0x1];
	s4 =	sand.u32 $0x1, s2;
	s2 =	simm.s32 $0x0  }
0x3: {  	s0 =	stileid.u32;
	s25 =	simm.s32 $0x880;
	[smem:$0x7FF] =	sst s2  }
0x4: {  	s26 =	simm.s32 $0x1080;
	_ =	strace $0x8000004A;
	[dreg:$0x5] =	wrdreg s25  }
0x5: {  	s5 =	sshll.u32 s0, $0x5;
	s0 =	simm.s32 $0x1880;
	[dreg:$0x6] =	wrdreg s26  }
0x6: {  	s7 =	simm.s32 $0x3080;
	[dreg:$0x7] =	wrdreg s0  }
0x7: {  	s8 =	simm.s32 $0x3880;
	[dreg:$0xa] =	wrdreg s7  }
0x8: {  	s9 =	simm.s32 $0x4080;
	[dreg:$0xb] =	wrdreg s8  }
0x9: {  	s10 =	simm.s32 $0x4880;
	[dreg:$0xc] =	wrdreg s9  }
0xa: {  	s11 =	simm.s32 $0x5080;
	[dreg:$0xd] =	wrdreg s10  }
0xb: {  	s12 =	simm.s32 $0x5880;
	[dreg:$0xe] =	wrdreg s11  }
0xc: {  	s13 =	simm.s32 $0x6080;
	[dreg:$0xf] =	wrdreg s12  }
0xd: {  	s14 =	simm.s32 $0x6880;
	[dreg:$0x10] =	wrdreg s13  }
0xe: {  	s15 =	simm.s32 $0x7080;
	[dreg:$0x11] =	wrdreg s14  }
0xf: {  	s16 =	simm.s32 $0x7880;
	s17 =	simm.s32 $0x8080;
	[dreg:$0x12] =	wrdreg s15  }
0x10: {  	s18 =	simm.s32 $0x8880;
	s19 =	simm.s32 $0x9080;
	[dreg:$0x13] =	wrdreg s16  }
0x11: {  	s21 =	simm.s32 $0x9880;
	s22 =	simm.s32 $0xA080;
	[dreg:$0x14] =	wrdreg s17  }
0x12: {  	s23 =	simm.s32 $0xB080;
	s24 =	simm.s32 $0xB880;
	[dreg:$0x15] =	wrdreg s18  }
0x13: {  	s28 =	simm.s32 $0x16080;
	s29 =	simm.s32 $0x16880;
	[dreg:$0x16] =	wrdreg s19  }
0x14: {  	s30 =	simm.s32 $0x17080;
	s31 =	simm.s32 $0x17880;
	[dreg:$0x17] =	wrdreg s21  }
0x15: {  	s6 =	sshll.u32 s4, $0x4;
	s4 =	ssub.s32 $0x2, s4;
	[dreg:$0x18] =	wrdreg s22  }
0x16: {  	s5 =	sor.u32 s6, s5;
	s20 =	sshrl.u32 s4, $0x1;
	[dreg:$0x1a] =	wrdreg s23  }
0x17: {  	s7 =	simm.s32 $0xA880;
	[dreg:$0x1b] =	wrdreg s24;
	s25 =	simm.s32 $0xC080  }
0x18: {  	s8 =	simm.s32 $0x80;
	s26 =	simm.s32 $0xC880;
	s10 =	simm.s32 $0xD880  }
0x19: {  	s11 =	simm.s32 $0xE080;
	s12 =	simm.s32 $0xE880;
	s13 =	simm.s32 $0xF080  }
0x1a: {  	s14 =	simm.s32 $0xF880;
	s15 =	simm.s32 $0x10080;
	s16 =	simm.s32 $0x10880  }
0x1b: {  	s17 =	simm.s32 $0x11080;
	s18 =	simm.s32 $0x11880;
	s19 =	simm.s32 $0x12080  }
0x1c: {  	s21 =	simm.s32 $0x13080;
	s22 =	simm.s32 $0x13880;
	[dreg:$0x19] =	wrdreg s7  }
0x1d: {  	s6 =	sadd.s32 s5, s1;
	s5 =	smul.u32 $0x300, s5;
	[dreg:$0x1c] =	wrdreg s25  }
0x1e: {  	s23 =	simm.s32 $0x14080;
	[dreg:$0x1d] =	wrdreg s26;
	s6 =	sadd.s32 $0x122200, s6  }
0x1f: {  	s24 =	simm.s32 $0x14880;
	[dreg:$0x3] =	wrdreg s6;
	s3 =	sadd.s32 s3, s5  }
0x20: {  	s7 =	simm.s32 $0x2;
	s5 =	simm.s32 $0x2080;
	[dreg:$0x4] =	wrdreg s3  }
0x21: {  	s25 =	simm.s32 $0x15080;
	s6 =	simm.s32 $0x2880;
	[dreg:$0x8] =	wrdreg s5  }
0x22: {  	v2 =	vlaneseq.u32;
	s26 =	simm.s32 $0x15880;
	[dreg:$0x9] =	wrdreg s6;
	s3 =	sadd.s32 $0x122400, s1  }
0x23: {  	vm0 =	vmmov $0xffff;
	v1 =	vshrl.u32 v2, $0x3;
	s6 =	ssub.s32 s4, s20;
	s4 =	sadd.s32 $0x122500, s1;
	s5 =	sadd.s32 $0x122600, s1  }
0x24: {  	v0 =	vand.u32 $0x7, v2;
	v2 =	vor.u32 $0x8, v2;
	v1 =	vmul.u32 $0x8, v1;
	s20 =	simm.s32 $0x12880;
	s1 =	simm.s32 $0x1;
	s6 =	smax.u32 s6, $0x1  }
.LBB2_1:
0x25: {  	s0 =	rddreg [dreg:$0x3]  }
0x26: {  	[tilespmem:s2], [sflag:$0x2] =	stream.linear.gather [hbm4b:s0+s2], $0x80, $0x38;
	[tilespmem:$0x18080] =	vst v63  }
0x27: {  	_ =	swait.ge [sflag:s7], $0x80  }
0x28: {  	[sflag:s7] =	ssyncset.done $0x0  }
0x29: {  	[sflag:s7] =	ssyncadd.s32 $0xFFFFFF80  }
0x2a: {  	v3 =	vld [tilespmem:$0x0];
	_ =	sdelay $0x4  }
0x2b: {  	v4 =	vshrl.u32 v3, $0x3  }
0x2c: {  	v4 =	vmul.u32 $0x30, v4  }
0x2d: {  	v3 =	vand.u32 $0x7, v3  }
0x2e: {  	v3 =	vor.u32 v3, v4  }
0x2f: {  	v4 =	vperm.xlane v3, v0;
	_ =	sdelay $0x1  }
0x30: {  	v4 =	vadd.s32 v1, v4;
	_ =	sdelay $0x3  }
0x31: {  	v3 =	vperm.xlane v3, v2  }
0x32: {  	[tilespmem:s8], [sflag:$0x1] =	stream.indirect_vreg.gather [hbm4b:s3+s2], $0x80, v4, vm0, $0xb8;
	[tilespmem:$0x18080] =	vst v63  }
0x33: {  	s0 =	rddreg [dreg:$0x5];
	v3 =	vadd.s32 v1, v3  }
0x34: {  	[tilespmem:s0], [sflag:$0x1] =	stream.indirect_vreg.gather [hbm4b:s4+s2], $0x80, v4, vm0, $0xb8;
	[tilespmem:$0x18080] =	vst v63  }
0x35: {  	s9 =	rddreg [dreg:$0x6]  }
0x36: {  	[tilespmem:s9], [sflag:$0x1] =	stream.indirect_vreg.gather [hbm4b:s5+s2], $0x80, v4, vm0, $0xb8;
	[tilespmem:$0x18080] =	vst v63  }
0x37: {  	s0 =	rddreg [dreg:$0x7]  }
0x38: {  	[tilespmem:s0], [sflag:$0x1] =	stream.indirect_vreg.gather [hbm4b:s3+s2], $0x80, v3, vm0, $0xb8;
	[tilespmem:$0x18080] =	vst v63  }
0x39: {  	s9 =	rddreg [dreg:$0x8]  }
0x3a: {  	[tilespmem:s9], [sflag:$0x1] =	stream.indirect_vreg.gather [hbm4b:s4+s2], $0x80, v3, vm0, $0xb8;
	[tilespmem:$0x18080] =	vst v63  }
0x3b: {  	s0 =	rddreg [dreg:$0x9]  }
0x3c: {  	[tilespmem:s0], [sflag:$0x1] =	stream.indirect_vreg.gather [hbm4b:s5+s2], $0x80, v3, vm0, $0xb8;
	[tilespmem:$0x18080] =	vst v63  }
0x3d: {  	v3 =	vld [tilespmem:$0x10];
	_ =	sdelay $0x4  }
0x3e: {  	v57 =	vshrl.u32 v3, $0x3  }
0x3f: {  	v4 =	vmul.u32 $0x30, v57  }
0x40: {  	v3 =	vand.u32 $0x7, v3  }
0x41: {  	v3 =	vor.u32 v3, v4  }
0x42: {  	v4 =	vperm.xlane v3, v0;
	_ =	sdelay $0x1  }
0x43: {  	v4 =	vadd.s32 v1, v4;
	_ =	sdelay $0x3  }
0x44: {  	s0 =	rddreg [dreg:$0xa];
	v3 =	vperm.xlane v3, v2  }
0x45: {  	[tilespmem:s0], [sflag:$0x1] =	stream.indirect_vreg.gather [hbm4b:s3+s2], $0x80, v4, vm0, $0xb8;
	[tilespmem:$0x18080] =	vst v63  }
0x46: {  	s9 =	rddreg [dreg:$0xb];
	v3 =	vadd.s32 v1, v3  }
0x47: {  	[tilespmem:s9], [sflag:$0x1] =	stream.indirect_vreg.gather [hbm4b:s4+s2], $0x80, v4, vm0, $0xb8;
	[tilespmem:$0x18080] =	vst v63  }
0x48: {  	s0 =	rddreg [dreg:$0xc]  }
0x49: {  	[tilespmem:s0], [sflag:$0x1] =	stream.indirect_vreg.gather [hbm4b:s5+s2], $0x80, v4, vm0, $0xb8;
	[tilespmem:$0x18080] =	vst v63  }
0x4a: {  	s9 =	rddreg [dreg:$0xd]  }
0x4b: {  	[tilespmem:s9], [sflag:$0x1] =	stream.indirect_vreg.gather [hbm4b:s3+s2], $0x80, v3, vm0, $0xb8;
	[tilespmem:$0x18080] =	vst v63  }
0x4c: {  	s0 =	rddreg [dreg:$0xe]  }
0x4d: {  	[tilespmem:s0], [sflag:$0x1] =	stream.indirect_vreg.gather [hbm4b:s4+s2], $0x80, v3, vm0, $0xb8;
	[tilespmem:$0x18080] =	vst v63  }
0x4e: {  	s9 =	rddreg [dreg:$0xf]  }
0x4f: {  	[tilespmem:s9], [sflag:$0x1] =	stream.indirect_vreg.gather [hbm4b:s5+s2], $0x80, v3, vm0, $0xb8;
	[tilespmem:$0x18080] =	vst v63  }
0x50: {  	v3 =	vld [tilespmem:$0x20];
	_ =	sdelay $0x4  }
0x51: {  	v58 =	vshrl.u32 v3, $0x3  }
0x52: {  	v4 =	vmul.u32 $0x30, v58  }
0x53: {  	v3 =	vand.u32 $0x7, v3  }
0x54: {  	v3 =	vor.u32 v3, v4  }
0x55: {  	v4 =	vperm.xlane v3, v0;
	_ =	sdelay $0x1  }
0x56: {  	v4 =	vadd.s32 v1, v4;
	_ =	sdelay $0x3  }
0x57: {  	s0 =	rddreg [dreg:$0x10];
	v3 =	vperm.xlane v3, v2  }
0x58: {  	[tilespmem:s0], [sflag:$0x1] =	stream.indirect_vreg.gather [hbm4b:s3+s2], $0x80, v4, vm0, $0xb8;
	[tilespmem:$0x18080] =	vst v63  }
0x59: {  	s9 =	rddreg [dreg:$0x11];
	v3 =	vadd.s32 v1, v3  }
0x5a: {  	[tilespmem:s9], [sflag:$0x1] =	stream.indirect_vreg.gather [hbm4b:s4+s2], $0x80, v4, vm0, $0xb8;
	[tilespmem:$0x18080] =	vst v63  }
0x5b: {  	s0 =	rddreg [dreg:$0x12]  }
0x5c: {  	[tilespmem:s0], [sflag:$0x1] =	stream.indirect_vreg.gather [hbm4b:s5+s2], $0x80, v4, vm0, $0xb8;
	[tilespmem:$0x18080] =	vst v63  }
0x5d: {  	s9 =	rddreg [dreg:$0x13]  }
0x5e: {  	[tilespmem:s9], [sflag:$0x1] =	stream.indirect_vreg.gather [hbm4b:s3+s2], $0x80, v3, vm0, $0xb8;
	[tilespmem:$0x18080] =	vst v63  }
0x5f: {  	s0 =	rddreg [dreg:$0x14]  }
0x60: {  	[tilespmem:s0], [sflag:$0x1] =	stream.indirect_vreg.gather [hbm4b:s4+s2], $0x80, v3, vm0, $0xb8;
	[tilespmem:$0x18080] =	vst v63  }
0x61: {  	s9 =	rddreg [dreg:$0x15]  }
0x62: {  	[tilespmem:s9], [sflag:$0x1] =	stream.indirect_vreg.gather [hbm4b:s5+s2], $0x80, v3, vm0, $0xb8;
	[tilespmem:$0x18080] =	vst v63  }
0x63: {  	v3 =	vld [tilespmem:$0x30];
	_ =	sdelay $0x4  }
0x64: {  	v59 =	vshrl.u32 v3, $0x3  }
0x65: {  	v4 =	vmul.u32 $0x30, v59  }
0x66: {  	v3 =	vand.u32 $0x7, v3  }
0x67: {  	v3 =	vor.u32 v3, v4  }
0x68: {  	v4 =	vperm.xlane v3, v0;
	_ =	sdelay $0x1  }
0x69: {  	v4 =	vadd.s32 v1, v4;
	_ =	sdelay $0x3  }
0x6a: {  	s0 =	rddreg [dreg:$0x16];
	v3 =	vperm.xlane v3, v2  }
0x6b: {  	[tilespmem:s0], [sflag:$0x1] =	stream.indirect_vreg.gather [hbm4b:s3+s2], $0x80, v4, vm0, $0xb8;
	[tilespmem:$0x18080] =	vst v63  }
0x6c: {  	s9 =	rddreg [dreg:$0x17];
	v3 =	vadd.s32 v1, v3  }
0x6d: {  	[tilespmem:s9], [sflag:$0x1] =	stream.indirect_vreg.gather [hbm4b:s4+s2], $0x80, v4, vm0, $0xb8;
	[tilespmem:$0x18080] =	vst v63  }
0x6e: {  	s0 =	rddreg [dreg:$0x18]  }
0x6f: {  	[tilespmem:s0], [sflag:$0x1] =	stream.indirect_vreg.gather [hbm4b:s5+s2], $0x80, v4, vm0, $0xb8;
	[tilespmem:$0x18080] =	vst v63  }
0x70: {  	s9 =	rddreg [dreg:$0x19]  }
0x71: {  	[tilespmem:s9], [sflag:$0x1] =	stream.indirect_vreg.gather [hbm4b:s3+s2], $0x80, v3, vm0, $0xb8;
	[tilespmem:$0x18080] =	vst v63  }
0x72: {  	s0 =	rddreg [dreg:$0x1a]  }
0x73: {  	[tilespmem:s0], [sflag:$0x1] =	stream.indirect_vreg.gather [hbm4b:s4+s2], $0x80, v3, vm0, $0xb8;
	[tilespmem:$0x18080] =	vst v63  }
0x74: {  	s9 =	rddreg [dreg:$0x1b]  }
0x75: {  	[tilespmem:s9], [sflag:$0x1] =	stream.indirect_vreg.gather [hbm4b:s5+s2], $0x80, v3, vm0, $0xb8;
	[tilespmem:$0x18080] =	vst v63  }
0x76: {  	v3 =	vld [tilespmem:$0x40];
	_ =	sdelay $0x4  }
0x77: {  	v60 =	vshrl.u32 v3, $0x3  }
0x78: {  	v4 =	vmul.u32 $0x30, v60  }
0x79: {  	v3 =	vand.u32 $0x7, v3  }
0x7a: {  	v3 =	vor.u32 v3, v4  }
0x7b: {  	v4 =	vperm.xlane v3, v0;
	_ =	sdelay $0x1  }
0x7c: {  	v4 =	vadd.s32 v1, v4;
	_ =	sdelay $0x3  }
0x7d: {  	s0 =	rddreg [dreg:$0x1c];
	v3 =	vperm.xlane v3, v2  }
0x7e: {  	[tilespmem:s0], [sflag:$0x1] =	stream.indirect_vreg.gather [hbm4b:s3+s2], $0x80, v4, vm0, $0xb8;
	[tilespmem:$0x18080] =	vst v63  }
0x7f: {  	s9 =	rddreg [dreg:$0x1d];
	v3 =	vadd.s32 v1, v3  }
0x80: {  	[tilespmem:s9], [sflag:$0x1] =	stream.indirect_vreg.gather [hbm4b:s4+s2], $0x80, v4, vm0, $0xb8;
	[tilespmem:$0x18080] =	vst v63  }
0x81: {  	s9 =	simm.s32 $0xD080  }
0x82: {  	[tilespmem:s9], [sflag:$0x1] =	stream.indirect_vreg.gather [hbm4b:s5+s2], $0x80, v4, vm0, $0xb8;
	[tilespmem:$0x18080] =	vst v63  }
0x83: {  	_ = 	snop  }
0x84: {  	[tilespmem:s10], [sflag:$0x1] =	stream.indirect_vreg.gather [hbm4b:s3+s2], $0x80, v3, vm0, $0xb8;
	[tilespmem:$0x18080] =	vst v63  }
0x85: {  	_ = 	snop  }
0x86: {  	[tilespmem:s11], [sflag:$0x1] =	stream.indirect_vreg.gather [hbm4b:s4+s2], $0x80, v3, vm0, $0xb8;
	[tilespmem:$0x18080] =	vst v63  }
0x87: {  	_ = 	snop  }
0x88: {  	[tilespmem:s12], [sflag:$0x1] =	stream.indirect_vreg.gather [hbm4b:s5+s2], $0x80, v3, vm0, $0xb8;
	[tilespmem:$0x18080] =	vst v63  }
0x89: {  	v3 =	vld [tilespmem:$0x50];
	_ =	sdelay $0x4  }
0x8a: {  	v61 =	vshrl.u32 v3, $0x3  }
0x8b: {  	v4 =	vmul.u32 $0x30, v61  }
0x8c: {  	v3 =	vand.u32 $0x7, v3  }
0x8d: {  	v3 =	vor.u32 v3, v4  }
0x8e: {  	v4 =	vperm.xlane v3, v0;
	_ =	sdelay $0x1  }
0x8f: {  	v4 =	vadd.s32 v1, v4;
	_ =	sdelay $0x3  }
0x90: {  	v3 =	vperm.xlane v3, v2  }
0x91: {  	[tilespmem:s13], [sflag:$0x1] =	stream.indirect_vreg.gather [hbm4b:s3+s2], $0x80, v4, vm0, $0xb8;
	[tilespmem:$0x18080] =	vst v63  }
0x92: {  	v3 =	vadd.s32 v1, v3  }
0x93: {  	[tilespmem:s14], [sflag:$0x1] =	stream.indirect_vreg.gather [hbm4b:s4+s2], $0x80, v4, vm0, $0xb8;
	[tilespmem:$0x18080] =	vst v63  }
0x94: {  	_ = 	snop  }
0x95: {  	[tilespmem:s15], [sflag:$0x1] =	stream.indirect_vreg.gather [hbm4b:s5+s2], $0x80, v4, vm0, $0xb8;
	[tilespmem:$0x18080] =	vst v63  }
0x96: {  	_ = 	snop  }
0x97: {  	[tilespmem:s16], [sflag:$0x1] =	stream.indirect_vreg.gather [hbm4b:s3+s2], $0x80, v3, vm0, $0xb8;
	[tilespmem:$0x18080] =	vst v63  }
0x98: {  	_ = 	snop  }
0x99: {  	[tilespmem:s17], [sflag:$0x1] =	stream.indirect_vreg.gather [hbm4b:s4+s2], $0x80, v3, vm0, $0xb8;
	[tilespmem:$0x18080] =	vst v63  }
0x9a: {  	_ = 	snop  }
0x9b: {  	[tilespmem:s18], [sflag:$0x1] =	stream.indirect_vreg.gather [hbm4b:s5+s2], $0x80, v3, vm0, $0xb8;
	[tilespmem:$0x18080] =	vst v63  }
0x9c: {  	v3 =	vld [tilespmem:$0x60];
	_ =	sdelay $0x4  }
0x9d: {  	v62 =	vshrl.u32 v3, $0x3  }
0x9e: {  	v4 =	vmul.u32 $0x30, v62  }
0x9f: {  	v3 =	vand.u32 $0x7, v3  }
0xa0: {  	v3 =	vor.u32 v3, v4  }
0xa1: {  	v4 =	vperm.xlane v3, v0;
	_ =	sdelay $0x1  }
0xa2: {  	v4 =	vadd.s32 v1, v4;
	_ =	sdelay $0x3  }
0xa3: {  	v3 =	vperm.xlane v3, v2  }
0xa4: {  	[tilespmem:s19], [sflag:$0x1] =	stream.indirect_vreg.gather [hbm4b:s3+s2], $0x80, v4, vm0, $0xb8;
	[tilespmem:$0x18080] =	vst v63  }
0xa5: {  	v3 =	vadd.s32 v1, v3  }
0xa6: {  	[tilespmem:s20], [sflag:$0x1] =	stream.indirect_vreg.gather [hbm4b:s4+s2], $0x80, v4, vm0, $0xb8;
	[tilespmem:$0x18080] =	vst v63  }
0xa7: {  	_ = 	snop  }
0xa8: {  	[tilespmem:s21], [sflag:$0x1] =	stream.indirect_vreg.gather [hbm4b:s5+s2], $0x80, v4, vm0, $0xb8;
	[tilespmem:$0x18080] =	vst v63  }
0xa9: {  	_ = 	snop  }
0xaa: {  	[tilespmem:s22], [sflag:$0x1] =	stream.indirect_vreg.gather [hbm4b:s3+s2], $0x80, v3, vm0, $0xb8;
	[tilespmem:$0x18080] =	vst v63  }
0xab: {  	_ = 	snop  }
0xac: {  	[tilespmem:s23], [sflag:$0x1] =	stream.indirect_vreg.gather [hbm4b:s4+s2], $0x80, v3, vm0, $0xb8;
	[tilespmem:$0x18080] =	vst v63  }
0xad: {  	_ = 	snop  }
0xae: {  	[tilespmem:s24], [sflag:$0x1] =	stream.indirect_vreg.gather [hbm4b:s5+s2], $0x80, v3, vm0, $0xb8;
	[tilespmem:$0x18080] =	vst v63  }
0xaf: {  	v3 =	vld [tilespmem:$0x70];
	_ =	sdelay $0x4  }
0xb0: {  	v63 =	vshrl.u32 v3, $0x3  }
0xb1: {  	v4 =	vmul.u32 $0x30, v63  }
0xb2: {  	v3 =	vand.u32 $0x7, v3  }
0xb3: {  	v3 =	vor.u32 v3, v4  }
0xb4: {  	v4 =	vperm.xlane v3, v0;
	_ =	sdelay $0x1  }
0xb5: {  	v4 =	vadd.s32 v1, v4;
	_ =	sdelay $0x3  }
0xb6: {  	v3 =	vperm.xlane v3, v2  }
0xb7: {  	[tilespmem:s25], [sflag:$0x1] =	stream.indirect_vreg.gather [hbm4b:s3+s2], $0x80, v4, vm0, $0xb8;
	[tilespmem:$0x18080] =	vst v63  }
0xb8: {  	v3 =	vadd.s32 v1, v3  }
0xb9: {  	[tilespmem:s26], [sflag:$0x1] =	stream.indirect_vreg.gather [hbm4b:s4+s2], $0x80, v4, vm0, $0xb8;
	[tilespmem:$0x18080] =	vst v63  }
0xba: {  	_ = 	snop  }
0xbb: {  	[tilespmem:s28], [sflag:$0x1] =	stream.indirect_vreg.gather [hbm4b:s5+s2], $0x80, v4, vm0, $0xb8;
	[tilespmem:$0x18080] =	vst v63  }
0xbc: {  	_ = 	snop  }
0xbd: {  	[tilespmem:s29], [sflag:$0x1] =	stream.indirect_vreg.gather [hbm4b:s3+s2], $0x80, v3, vm0, $0xb8;
	[tilespmem:$0x18080] =	vst v63  }
0xbe: {  	_ = 	snop  }
0xbf: {  	[tilespmem:s30], [sflag:$0x1] =	stream.indirect_vreg.gather [hbm4b:s4+s2], $0x80, v3, vm0, $0xb8;
	[tilespmem:$0x18080] =	vst v63  }
0xc0: {  	_ = 	snop  }
0xc1: {  	[tilespmem:s31], [sflag:$0x1] =	stream.indirect_vreg.gather [hbm4b:s5+s2], $0x80, v3, vm0, $0xb8;
	[tilespmem:$0x18080] =	vst v63  }
0xc2: {  	_ =	swait.ge [sflag:s1], $0x18000  }
0xc3: {  	p0 =	sne.s32 s6, $0x1;
	[sflag:s1] =	ssyncset.done $0x0  }
.Ltmp0:
0xc4: {  	s9 =	rddreg [dreg:$0x4];
	[sflag:s1] =	ssyncadd.s32 $0xFFFE8000;
	(pc) =	sbr.rel @p0 .LBB2_1-.Ltmp0, $4  }
0xc5: {  	[hbm4b:s9+s2] =	stream.linear.scatter [tilespmem:s8], [sflag:$0x2], $0x18000, $0x38;
	[tilespmem:$0x18080] =	vst v63  }
0xc6: {  	_ =	swait.ge [sflag:s7], $0x18000  }
0xc7: {  	[sflag:s7] =	ssyncset.done $0x0  }
0xc8: {  	s6 =	sadd.s32 $0xFFFFFFFF, s6;
	[sflag:s7] =	ssyncadd.s32 $0xFFFE8000  }
0xc9: {  	_ =	sfence.sel $0x180000  }
0xca: {  	[bflag:$0x0] =	sbarrier.arrive $0xFFFF  }
0xcb: {  	_ =	strace $0x9000004A  }
0xcc: {  	s0 =	stileid.u32;
	[bflag:$0x2] =	sbarrier.arrive $0xFFFF  }
0xcd: {  	p0 =	sne.s32 s0, $0x0;
	s0 =	rddreg [dreg:$0x2]  }
0xce: {  	s0 =	sadd.s32 @!p0 $0x100000, s0  }
0xcf: {  	[sflag:s0] =	ssyncadd.tile.s32 @!p0 $0x1;
	_ =	shalt  }
.Lfunc_end2:
_tile_overlayer_lowered:
.L_overlay_start_2:
0xd0: {  	(tag) =	ssettag $0x2  }
0xd1: {  	s0 =	rddreg [dreg:$0x0];
	s2 =	stileid.u32  }
0xd2: {  	s1 =	rddreg [dreg:$0x1];
	p0 =	sne.s32 s2, $0x0  }
0xd3: {  	s3 =	rddreg [dreg:$0x2];
	[bflag:$0x3] =	sbarrier.arrive $0xFFFF;
	s2 =	simm.s32 @!p0 $0x1C02  }
0xd4: {  	[timem:s3], [sflag:s2] =	dma.local @!p0 [hbm:s0], s1  }
0xd5: {  	s0 =	simm.s32 @!p0 $0x2  }
0xd6: {  	_ =	swait.ge @!p0 [sflag:s0], s1  }
0xd7: {  	s1 =	ssub.s32 @!p0 $0x0, s1;
	[sflag:s0] =	ssyncset.done @!p0 $0x0  }
0xd8: {  	[sflag:s0] =	ssyncadd.s32 @!p0 s1  }
0xd9: {  	[bflag:$0x3] =	sbarrier.arrive $0xFFFF  }
0xda: {  	_ =	shalt  }

</sc_bundles>
